<compile_context>
chip_gen: v7x
topology: tpu7x:2x2x1
jax: 0.10.2.dev20260603
libtpu: 0.0.44.dev20260713+nightly
codegen_flags: <defaults>
</compile_context>

<pallas_src>
import jax
import jax.numpy as jnp
from jax import lax
from jax.experimental import pallas as pl
from jax.experimental.pallas import tpu as pltpu
from jax.experimental.pallas import tpu_sc as plsc

import numpy as np

VOCAB = 100000
D_MODEL = 2048
HEAD_DIM = 128
THETA = 10000.0
B = 2
S = 4096
N_TOK = B * S

NC = 2
NS = 16
NW = NC * NS
TOK_PER_W = N_TOK // NW
CHUNK = 8
N_CHUNKS = TOK_PER_W // CHUNK
NBUF = 7


def _gather_body(ids_hbm, table_hbm, out_hbm, idx_v, bufs, sem_in, sem_out):
    wid = lax.axis_index("s") * NC + lax.axis_index("c")
    row = wid // (S // TOK_PER_W)
    col = (wid % (S // TOK_PER_W)) * TOK_PER_W
    pltpu.sync_copy(ids_hbm.at[row, pl.ds(col, TOK_PER_W)], idx_v)

    def gather_desc(j, b):
        return pltpu.make_async_copy(
            table_hbm.at[idx_v.at[pl.ds(j * CHUNK, CHUNK)]], bufs.at[b],
            sem_in.at[b],
        )

    def store_desc(j, b):
        return pltpu.make_async_copy(
            bufs.at[b], out_hbm.at[pl.ds(wid * TOK_PER_W + j * CHUNK, CHUNK)],
            sem_out.at[b],
        )

    for b in range(NBUF - 1):
        gather_desc(b, b).start()

    @pl.loop(0, N_CHUNKS)
    def _(jj):
        b = jj % NBUF
        bf = (jj + NBUF - 1) % NBUF

        @pl.when(jj + NBUF - 1 < N_CHUNKS)
        def _():
            @pl.when(jj > 0)
            def _():
                store_desc(jj - 1, bf).wait()

            gather_desc(jj + NBUF - 1, bf).start()

        gather_desc(jj, b).wait()
        store_desc(jj, b).start()

    for jj in range(N_CHUNKS - NBUF, N_CHUNKS):
        store_desc(jj, jj % NBUF).wait()


@jax.jit
def _sc_gather(ids, table):
    mesh = plsc.VectorSubcoreMesh(core_axis_name="c", subcore_axis_name="s")
    f = pl.kernel(
        _gather_body,
        out_type=jax.ShapeDtypeStruct((N_TOK, D_MODEL), jnp.float32),
        mesh=mesh,
        scratch_types=[
            pltpu.VMEM((TOK_PER_W,), jnp.int32),
            pltpu.VMEM((NBUF, CHUNK, D_MODEL), jnp.float32),
            pltpu.SemaphoreType.DMA((NBUF,)),
            pltpu.SemaphoreType.DMA((NBUF,)),
        ],
    )
    return f(ids, table)


def _rope_body(cos_ref, sin_ref):
    pos = lax.broadcasted_iota(jnp.int32, (S, HEAD_DIM), 0).astype(jnp.float32)
    col = lax.broadcasted_iota(jnp.int32, (S, HEAD_DIM), 1)
    half = jnp.where(col < HEAD_DIM // 2, col, col - HEAD_DIM // 2)
    log_theta = float(np.log(THETA))
    inv_freq = jnp.exp(half.astype(jnp.float32) * (-2.0 / HEAD_DIM * log_theta))
    ang = pos * inv_freq
    cos_ref[...] = jnp.cos(ang)
    sin_ref[...] = jnp.sin(ang)


@jax.jit
def _rope():
    return pl.pallas_call(
        _rope_body,
        out_shape=(
            jax.ShapeDtypeStruct((S, HEAD_DIM), jnp.float32),
            jax.ShapeDtypeStruct((S, HEAD_DIM), jnp.float32),
        ),
    )()


def kernel(input_ids, embed_table):
    hid = _sc_gather(input_ids, embed_table)
    cos, sin = _rope()
    return (
        hid.reshape(B, S, D_MODEL),
        cos[None],
        sin[None],
    )

# --- scband reference (transcript-rebuilt; emitter-appended) ---
"""Pipeline reference for scband-embedding-layer-51290499449072 (READ-ONLY COPY).

The authoritative reference and input builder live on the scoring server;
editing this copy changes nothing except your own understanding.
"""

import jax, jax.numpy as jnp
import numpy as np

VOCAB = 100000
D_MODEL = 2048
HEAD_DIM = 128
THETA = 10000.0
B = 2
S = 4096


def setup_inputs(seed: int = 0) -> dict:
    key = jax.random.key(seed)
    k1, k2 = jax.random.split(key)
    input_ids = jax.random.randint(k1, (B, S), 0, VOCAB, dtype=jnp.int32)
    embed_table = jax.random.normal(k2, (VOCAB, D_MODEL), dtype=jnp.float32) * 0.02
    return {"input_ids": input_ids, "embed_table": embed_table}


def reference(input_ids, embed_table):
    # Embedding lookup: token ids -> hidden states
    hidden_states = jnp.take(embed_table, input_ids, axis=0)
    seq_len = hidden_states.shape[1]
    position_ids = jnp.arange(seq_len, dtype=jnp.int32)[None, :]  # [1, S]
    # Rotary embedding (LLaMA-style): inv_freq over half head_dim
    inv_freq = 1.0 / (THETA ** (jnp.arange(0, HEAD_DIM, 2, dtype=jnp.float32) / HEAD_DIM))
    freqs = position_ids[:, :, None].astype(jnp.float32) * inv_freq[None, None, :]  # [1, S, HEAD_DIM//2]
    emb = jnp.concatenate([freqs, freqs], axis=-1)  # [1, S, HEAD_DIM]
    cos = jnp.cos(emb)
    sin = jnp.sin(emb)
    return (hidden_states, cos, sin)

if __name__ == "__main__":
    import jax
    _d = setup_inputs()
    print(jax.jit(kernel)(*tuple(_d.values())))

</pallas_src>

<mosaic_0001>
#map = affine_map<(d0, d1) -> (0, 0)>
module attributes {stable_mosaic.version = 14 : i64} {
  func.func @_gather_body(%arg0: i32, %arg1: i32, %arg2: memref<2x4096xi32, #tpu.memory_space<hbm>>, %arg3: memref<100000x2048xf32, #tpu.memory_space<hbm>>, %arg4: memref<8192x2048xf32, #tpu.memory_space<hbm>>, %arg5: memref<256xi32, #tpu.memory_space<vmem>>, %arg6: memref<7x8x2048xf32, #tpu.memory_space<vmem>>, %arg7: memref<7x!tpu.dma_semaphore, #tpu.memory_space<semaphore_mem>>, %arg8: memref<7x!tpu.dma_semaphore, #tpu.memory_space<semaphore_mem>>) attributes {dimension_semantics = [#tpu.dimension_semantics<core_parallel>, #tpu.dimension_semantics<subcore_parallel>], iteration_bounds = array<i64: 2, 16>, scalar_prefetch = 0 : i64, scratch_operands = 4 : i64, tpu.core_type = #tpu.core_type<sc_vector_subcore>, window_params = [{transform_indices = #map}, {transform_indices = #map}, {transform_indices = #map}]} {
    %mul3A = arith.constant 2 : i32
    %mul3A_0 = arith.muli %arg1, %mul3A : i32
    %add3A = arith.addi %mul3A_0, %arg0 : i32
    %jit3A = arith.constant 16 : i32
    %div3A = arith.divsi %add3A, %jit3A : i32
    %sign3A = arith.constant 0 : i32
    %sign3A_1 = arith.cmpi sgt, %add3A, %sign3A : i32
    %sign3A_2 = arith.extui %sign3A_1 : i1 to i32
    %sign3A_3 = arith.constant 0 : i32
    %sign3A_4 = arith.cmpi slt, %add3A, %sign3A_3 : i32
    %sign3A_5 = arith.extui %sign3A_4 : i1 to i32
    %sign3A_6 = arith.subi %sign3A_2, %sign3A_5 : i32
    %sign3A_7 = arith.constant 0 : i32
    %sign3A_8 = arith.cmpi sgt, %jit3A, %sign3A_7 : i32
    %sign3A_9 = arith.extui %sign3A_8 : i1 to i32
    %sign3A_10 = arith.constant 0 : i32
    %sign3A_11 = arith.cmpi slt, %jit3A, %sign3A_10 : i32
    %sign3A_12 = arith.extui %sign3A_11 : i1 to i32
    %sign3A_13 = arith.subi %sign3A_9, %sign3A_12 : i32
    %ne3A = arith.cmpi ne, %sign3A_6, %sign3A_13 : i32
    %rem3A = arith.remsi %add3A, %jit3A : i32
    %ne3A_14 = arith.constant 0 : i32
    %ne3A_15 = arith.cmpi ne, %rem3A, %ne3A_14 : i32
    %and3A = arith.andi %ne3A, %ne3A_15 : i1
    %sub3A = arith.constant 1 : i32
    %sub3A_16 = arith.subi %div3A, %sub3A : i32
    %select_n3A = arith.select %and3A, %sub3A_16, %div3A : i32
    %jit3A_17 = arith.constant 16 : i32
    %eq3A = arith.constant 0 : i32
    %eq3A_18 = arith.cmpi eq, %jit3A_17, %eq3A : i32
    %jit3A_19 = arith.constant 1 : i32
    %select_n3A_20 = arith.select %eq3A_18, %jit3A_19, %jit3A_17 : i32
    %rem3A_21 = arith.remsi %add3A, %select_n3A_20 : i32
    %ne3A_22 = arith.constant 0 : i32
    %ne3A_23 = arith.cmpi ne, %rem3A_21, %ne3A_22 : i32
    %lt3A = arith.constant 0 : i32
    %lt3A_24 = arith.cmpi slt, %rem3A_21, %lt3A : i32
    %lt3A_25 = arith.constant 0 : i32
    %lt3A_26 = arith.cmpi slt, %select_n3A_20, %lt3A_25 : i32
    %ne3A_27 = arith.xori %lt3A_24, %lt3A_26 : i1
    %and3A_28 = arith.andi %ne3A_27, %ne3A_23 : i1
    %add3A_29 = arith.addi %rem3A_21, %select_n3A_20 : i32
    %select_n3A_30 = arith.select %and3A_28, %add3A_29, %rem3A_21 : i32
    %mul3A_31 = arith.constant 256 : i32
    %mul3A_32 = arith.muli %select_n3A_30, %mul3A_31 : i32
    "tpu.region"() ({
      %run_scoped3A = tpu.sem_alloc : memref<!tpu.dma_semaphore, #tpu.memory_space<semaphore_mem>>
      %dma_start3A_253 = tpu.memref_slice %arg2[%select_n3A, %mul3A_32] : memref<2x4096xi32, #tpu.memory_space<hbm>> -> memref<1x256xi32, #tpu.memory_space<hbm>>
      %dma_start3A_254 = tpu.memref_squeeze %dma_start3A_253 : memref<1x256xi32, #tpu.memory_space<hbm>> -> memref<256xi32, #tpu.memory_space<hbm>>
      %dma_start3A_255 = tpu.memref_slice %arg2[%select_n3A, %mul3A_32] : memref<2x4096xi32, #tpu.memory_space<hbm>> -> memref<1x256xi32, #tpu.memory_space<hbm>>
      %dma_start3A_256 = tpu.memref_squeeze %dma_start3A_255 : memref<1x256xi32, #tpu.memory_space<hbm>> -> memref<256xi32, #tpu.memory_space<hbm>>
      tpu.enqueue_dma source(%dma_start3A_256 : memref<256xi32, #tpu.memory_space<hbm>>) target(%arg5 : memref<256xi32, #tpu.memory_space<vmem>>) target_semaphore(%run_scoped3A : memref<!tpu.dma_semaphore, #tpu.memory_space<semaphore_mem>>)
      %dma_wait3A_257 = tpu.memref_slice %arg2[%select_n3A, %mul3A_32] : memref<2x4096xi32, #tpu.memory_space<hbm>> -> memref<1x256xi32, #tpu.memory_space<hbm>>
      %dma_wait3A_258 = tpu.memref_squeeze %dma_wait3A_257 : memref<1x256xi32, #tpu.memory_space<hbm>> -> memref<256xi32, #tpu.memory_space<hbm>>
      %dma_wait3A_259 = tpu.memref_slice %arg2[%select_n3A, %mul3A_32] : memref<2x4096xi32, #tpu.memory_space<hbm>> -> memref<1x256xi32, #tpu.memory_space<hbm>>
      %dma_wait3A_260 = tpu.memref_squeeze %dma_wait3A_259 : memref<1x256xi32, #tpu.memory_space<hbm>> -> memref<256xi32, #tpu.memory_space<hbm>>
      tpu.wait_dma2 semaphore(%run_scoped3A : memref<!tpu.dma_semaphore, #tpu.memory_space<semaphore_mem>>) src(%dma_wait3A_260 : memref<256xi32, #tpu.memory_space<hbm>>) dst(%arg5 : memref<256xi32, #tpu.memory_space<vmem>>)
      tpu.yield
    }) : () -> ()
    %dma_start3A = arith.constant 0 : i32
    %dma_start3A_33 = arith.constant 0 : i32
    %dma_start3A_34 = arith.constant 0 : i32
    %dma_start3A_35 = arith.constant 0 : i32
    %dma_start3A_36 = tpu.memref_slice %arg6[%dma_start3A, %dma_start3A_34, %dma_start3A_35] : memref<7x8x2048xf32, #tpu.memory_space<vmem>> -> memref<1x8x2048xf32, #tpu.memory_space<vmem>>
    %dma_start3A_37 = tpu.memref_squeeze %dma_start3A_36 : memref<1x8x2048xf32, #tpu.memory_space<vmem>> -> memref<8x2048xf32, #tpu.memory_space<vmem>>
    %dma_start3A_38 = arith.constant 0 : i32
    %dma_start3A_39 = tpu.memref_slice %arg5[%dma_start3A_38] : memref<256xi32, #tpu.memory_space<vmem>> -> memref<8xi32, #tpu.memory_space<vmem>>
    %dma_start3A_40 = arith.constant 0 : i32
    %dma_start3A_41 = arith.constant 0 : i32
    %dma_start3A_42 = tpu.memref_slice %arg3[%dma_start3A_40, %dma_start3A_41] : memref<100000x2048xf32, #tpu.memory_space<hbm>> -> memref<100000x2048xf32, #tpu.memory_space<hbm>>
    %dma_start3A_43 = tpu.memref_slice %arg7[%dma_start3A_33] : memref<7x!tpu.dma_semaphore, #tpu.memory_space<semaphore_mem>> -> memref<1x!tpu.dma_semaphore, #tpu.memory_space<semaphore_mem>>
    %dma_start3A_44 = tpu.memref_squeeze %dma_start3A_43 : memref<1x!tpu.dma_semaphore, #tpu.memory_space<semaphore_mem>> -> memref<!tpu.dma_semaphore, #tpu.memory_space<semaphore_mem>>
    tpu.enqueue_indirect_dma source(%dma_start3A_42 : memref<100000x2048xf32, #tpu.memory_space<hbm>>) target(%dma_start3A_37 : memref<8x2048xf32, #tpu.memory_space<vmem>>) offsets(%dma_start3A_39 : memref<8xi32, #tpu.memory_space<vmem>>) semaphore(%dma_start3A_44 : memref<!tpu.dma_semaphore, #tpu.memory_space<semaphore_mem>>)
    %dma_start3A_45 = arith.constant 1 : i32
    %dma_start3A_46 = arith.constant 1 : i32
    %dma_start3A_47 = arith.constant 0 : i32
    %dma_start3A_48 = arith.constant 0 : i32
    %dma_start3A_49 = tpu.memref_slice %arg6[%dma_start3A_45, %dma_start3A_47, %dma_start3A_48] : memref<7x8x2048xf32, #tpu.memory_space<vmem>> -> memref<1x8x2048xf32, #tpu.memory_space<vmem>>
    %dma_start3A_50 = tpu.memref_squeeze %dma_start3A_49 : memref<1x8x2048xf32, #tpu.memory_space<vmem>> -> memref<8x2048xf32, #tpu.memory_space<vmem>>
    %dma_start3A_51 = arith.constant 8 : i32
    %dma_start3A_52 = tpu.memref_slice %arg5[%dma_start3A_51] : memref<256xi32, #tpu.memory_space<vmem>> -> memref<8xi32, #tpu.memory_space<vmem>>
    %dma_start3A_53 = arith.constant 0 : i32
    %dma_start3A_54 = arith.constant 0 : i32
    %dma_start3A_55 = tpu.memref_slice %arg3[%dma_start3A_53, %dma_start3A_54] : memref<100000x2048xf32, #tpu.memory_space<hbm>> -> memref<100000x2048xf32, #tpu.memory_space<hbm>>
    %dma_start3A_56 = tpu.memref_slice %arg7[%dma_start3A_46] : memref<7x!tpu.dma_semaphore, #tpu.memory_space<semaphore_mem>> -> memref<1x!tpu.dma_semaphore, #tpu.memory_space<semaphore_mem>>
    %dma_start3A_57 = tpu.memref_squeeze %dma_start3A_56 : memref<1x!tpu.dma_semaphore, #tpu.memory_space<semaphore_mem>> -> memref<!tpu.dma_semaphore, #tpu.memory_space<semaphore_mem>>
    tpu.enqueue_indirect_dma source(%dma_start3A_55 : memref<100000x2048xf32, #tpu.memory_space<hbm>>) target(%dma_start3A_50 : memref<8x2048xf32, #tpu.memory_space<vmem>>) offsets(%dma_start3A_52 : memref<8xi32, #tpu.memory_space<vmem>>) semaphore(%dma_start3A_57 : memref<!tpu.dma_semaphore, #tpu.memory_space<semaphore_mem>>)
    %dma_start3A_58 = arith.constant 2 : i32
    %dma_start3A_59 = arith.constant 2 : i32
    %dma_start3A_60 = arith.constant 0 : i32
    %dma_start3A_61 = arith.constant 0 : i32
    %dma_start3A_62 = tpu.memref_slice %arg6[%dma_start3A_58, %dma_start3A_60, %dma_start3A_61] : memref<7x8x2048xf32, #tpu.memory_space<vmem>> -> memref<1x8x2048xf32, #tpu.memory_space<vmem>>
    %dma_start3A_63 = tpu.memref_squeeze %dma_start3A_62 : memref<1x8x2048xf32, #tpu.memory_space<vmem>> -> memref<8x2048xf32, #tpu.memory_space<vmem>>
    %dma_start3A_64 = arith.constant 16 : i32
    %dma_start3A_65 = tpu.memref_slice %arg5[%dma_start3A_64] : memref<256xi32, #tpu.memory_space<vmem>> -> memref<8xi32, #tpu.memory_space<vmem>>
    %dma_start3A_66 = arith.constant 0 : i32
    %dma_start3A_67 = arith.constant 0 : i32
    %dma_start3A_68 = tpu.memref_slice %arg3[%dma_start3A_66, %dma_start3A_67] : memref<100000x2048xf32, #tpu.memory_space<hbm>> -> memref<100000x2048xf32, #tpu.memory_space<hbm>>
    %dma_start3A_69 = tpu.memref_slice %arg7[%dma_start3A_59] : memref<7x!tpu.dma_semaphore, #tpu.memory_space<semaphore_mem>> -> memref<1x!tpu.dma_semaphore, #tpu.memory_space<semaphore_mem>>
    %dma_start3A_70 = tpu.memref_squeeze %dma_start3A_69 : memref<1x!tpu.dma_semaphore, #tpu.memory_space<semaphore_mem>> -> memref<!tpu.dma_semaphore, #tpu.memory_space<semaphore_mem>>
    tpu.enqueue_indirect_dma source(%dma_start3A_68 : memref<100000x2048xf32, #tpu.memory_space<hbm>>) target(%dma_start3A_63 : memref<8x2048xf32, #tpu.memory_space<vmem>>) offsets(%dma_start3A_65 : memref<8xi32, #tpu.memory_space<vmem>>) semaphore(%dma_start3A_70 : memref<!tpu.dma_semaphore, #tpu.memory_space<semaphore_mem>>)
    %dma_start3A_71 = arith.constant 3 : i32
    %dma_start3A_72 = arith.constant 3 : i32
    %dma_start3A_73 = arith.constant 0 : i32
    %dma_start3A_74 = arith.constant 0 : i32
    %dma_start3A_75 = tpu.memref_slice %arg6[%dma_start3A_71, %dma_start3A_73, %dma_start3A_74] : memref<7x8x2048xf32, #tpu.memory_space<vmem>> -> memref<1x8x2048xf32, #tpu.memory_space<vmem>>
    %dma_start3A_76 = tpu.memref_squeeze %dma_start3A_75 : memref<1x8x2048xf32, #tpu.memory_space<vmem>> -> memref<8x2048xf32, #tpu.memory_space<vmem>>
    %dma_start3A_77 = arith.constant 24 : i32
    %dma_start3A_78 = tpu.memref_slice %arg5[%dma_start3A_77] : memref<256xi32, #tpu.memory_space<vmem>> -> memref<8xi32, #tpu.memory_space<vmem>>
    %dma_start3A_79 = arith.constant 0 : i32
    %dma_start3A_80 = arith.constant 0 : i32
    %dma_start3A_81 = tpu.memref_slice %arg3[%dma_start3A_79, %dma_start3A_80] : memref<100000x2048xf32, #tpu.memory_space<hbm>> -> memref<100000x2048xf32, #tpu.memory_space<hbm>>
    %dma_start3A_82 = tpu.memref_slice %arg7[%dma_start3A_72] : memref<7x!tpu.dma_semaphore, #tpu.memory_space<semaphore_mem>> -> memref<1x!tpu.dma_semaphore, #tpu.memory_space<semaphore_mem>>
    %dma_start3A_83 = tpu.memref_squeeze %dma_start3A_82 : memref<1x!tpu.dma_semaphore, #tpu.memory_space<semaphore_mem>> -> memref<!tpu.dma_semaphore, #tpu.memory_space<semaphore_mem>>
    tpu.enqueue_indirect_dma source(%dma_start3A_81 : memref<100000x2048xf32, #tpu.memory_space<hbm>>) target(%dma_start3A_76 : memref<8x2048xf32, #tpu.memory_space<vmem>>) offsets(%dma_start3A_78 : memref<8xi32, #tpu.memory_space<vmem>>) semaphore(%dma_start3A_83 : memref<!tpu.dma_semaphore, #tpu.memory_space<semaphore_mem>>)
    %dma_start3A_84 = arith.constant 4 : i32
    %dma_start3A_85 = arith.constant 4 : i32
    %dma_start3A_86 = arith.constant 0 : i32
    %dma_start3A_87 = arith.constant 0 : i32
    %dma_start3A_88 = tpu.memref_slice %arg6[%dma_start3A_84, %dma_start3A_86, %dma_start3A_87] : memref<7x8x2048xf32, #tpu.memory_space<vmem>> -> memref<1x8x2048xf32, #tpu.memory_space<vmem>>
    %dma_start3A_89 = tpu.memref_squeeze %dma_start3A_88 : memref<1x8x2048xf32, #tpu.memory_space<vmem>> -> memref<8x2048xf32, #tpu.memory_space<vmem>>
    %dma_start3A_90 = arith.constant 32 : i32
    %dma_start3A_91 = tpu.memref_slice %arg5[%dma_start3A_90] : memref<256xi32, #tpu.memory_space<vmem>> -> memref<8xi32, #tpu.memory_space<vmem>>
    %dma_start3A_92 = arith.constant 0 : i32
    %dma_start3A_93 = arith.constant 0 : i32
    %dma_start3A_94 = tpu.memref_slice %arg3[%dma_start3A_92, %dma_start3A_93] : memref<100000x2048xf32, #tpu.memory_space<hbm>> -> memref<100000x2048xf32, #tpu.memory_space<hbm>>
    %dma_start3A_95 = tpu.memref_slice %arg7[%dma_start3A_85] : memref<7x!tpu.dma_semaphore, #tpu.memory_space<semaphore_mem>> -> memref<1x!tpu.dma_semaphore, #tpu.memory_space<semaphore_mem>>
    %dma_start3A_96 = tpu.memref_squeeze %dma_start3A_95 : memref<1x!tpu.dma_semaphore, #tpu.memory_space<semaphore_mem>> -> memref<!tpu.dma_semaphore, #tpu.memory_space<semaphore_mem>>
    tpu.enqueue_indirect_dma source(%dma_start3A_94 : memref<100000x2048xf32, #tpu.memory_space<hbm>>) target(%dma_start3A_89 : memref<8x2048xf32, #tpu.memory_space<vmem>>) offsets(%dma_start3A_91 : memref<8xi32, #tpu.memory_space<vmem>>) semaphore(%dma_start3A_96 : memref<!tpu.dma_semaphore, #tpu.memory_space<semaphore_mem>>)
    %dma_start3A_97 = arith.constant 5 : i32
    %dma_start3A_98 = arith.constant 5 : i32
    %dma_start3A_99 = arith.constant 0 : i32
    %dma_start3A_100 = arith.constant 0 : i32
    %dma_start3A_101 = tpu.memref_slice %arg6[%dma_start3A_97, %dma_start3A_99, %dma_start3A_100] : memref<7x8x2048xf32, #tpu.memory_space<vmem>> -> memref<1x8x2048xf32, #tpu.memory_space<vmem>>
    %dma_start3A_102 = tpu.memref_squeeze %dma_start3A_101 : memref<1x8x2048xf32, #tpu.memory_space<vmem>> -> memref<8x2048xf32, #tpu.memory_space<vmem>>
    %dma_start3A_103 = arith.constant 40 : i32
    %dma_start3A_104 = tpu.memref_slice %arg5[%dma_start3A_103] : memref<256xi32, #tpu.memory_space<vmem>> -> memref<8xi32, #tpu.memory_space<vmem>>
    %dma_start3A_105 = arith.constant 0 : i32
    %dma_start3A_106 = arith.constant 0 : i32
    %dma_start3A_107 = tpu.memref_slice %arg3[%dma_start3A_105, %dma_start3A_106] : memref<100000x2048xf32, #tpu.memory_space<hbm>> -> memref<100000x2048xf32, #tpu.memory_space<hbm>>
    %dma_start3A_108 = tpu.memref_slice %arg7[%dma_start3A_98] : memref<7x!tpu.dma_semaphore, #tpu.memory_space<semaphore_mem>> -> memref<1x!tpu.dma_semaphore, #tpu.memory_space<semaphore_mem>>
    %dma_start3A_109 = tpu.memref_squeeze %dma_start3A_108 : memref<1x!tpu.dma_semaphore, #tpu.memory_space<semaphore_mem>> -> memref<!tpu.dma_semaphore, #tpu.memory_space<semaphore_mem>>
    tpu.enqueue_indirect_dma source(%dma_start3A_107 : memref<100000x2048xf32, #tpu.memory_space<hbm>>) target(%dma_start3A_102 : memref<8x2048xf32, #tpu.memory_space<vmem>>) offsets(%dma_start3A_104 : memref<8xi32, #tpu.memory_space<vmem>>) semaphore(%dma_start3A_109 : memref<!tpu.dma_semaphore, #tpu.memory_space<semaphore_mem>>)
    %scan3A = arith.constant 0 : i32
    %scan3A_110 = arith.constant 32 : i32
    %scan3A_111 = arith.addi %scan3A, %scan3A_110 : i32
    %scan3A_112 = arith.constant 1 : i32
    scf.for %scan3A_253 = %scan3A to %scan3A_111 step %scan3A_112  : i32 {
      %mul3A_254 = arith.constant 1 : i32
      %mul3A_255 = arith.muli %scan3A_253, %mul3A_254 : i32
      %add3A_256 = arith.constant 0 : i32
      %add3A_257 = arith.addi %add3A_256, %mul3A_255 : i32
      %jit3A_258 = arith.constant 7 : i32
      %eq3A_259 = arith.constant 0 : i32
      %eq3A_260 = arith.cmpi eq, %jit3A_258, %eq3A_259 : i32
      %jit3A_261 = arith.constant 1 : i32
      %select_n3A_262 = arith.select %eq3A_260, %jit3A_261, %jit3A_258 : i32
      %rem3A_263 = arith.remsi %add3A_257, %select_n3A_262 : i32
      %ne3A_264 = arith.constant 0 : i32
      %ne3A_265 = arith.cmpi ne, %rem3A_263, %ne3A_264 : i32
      %lt3A_266 = arith.constant 0 : i32
      %lt3A_267 = arith.cmpi slt, %rem3A_263, %lt3A_266 : i32
      %lt3A_268 = arith.constant 0 : i32
      %lt3A_269 = arith.cmpi slt, %select_n3A_262, %lt3A_268 : i32
      %ne3A_270 = arith.xori %lt3A_267, %lt3A_269 : i1
      %and3A_271 = arith.andi %ne3A_270, %ne3A_265 : i1
      %add3A_272 = arith.addi %rem3A_263, %select_n3A_262 : i32
      %select_n3A_273 = arith.select %and3A_271, %add3A_272, %rem3A_263 : i32
      %add3A_274 = arith.constant 7 : i32
      %add3A_275 = arith.addi %add3A_257, %add3A_274 : i32
      %sub3A_276 = arith.constant 1 : i32
      %sub3A_277 = arith.subi %add3A_275, %sub3A_276 : i32
      %jit3A_278 = arith.constant 7 : i32
      %eq3A_279 = arith.constant 0 : i32
      %eq3A_280 = arith.cmpi eq, %jit3A_278, %eq3A_279 : i32
      %jit3A_281 = arith.constant 1 : i32
      %select_n3A_282 = arith.select %eq3A_280, %jit3A_281, %jit3A_278 : i32
      %rem3A_283 = arith.remsi %sub3A_277, %select_n3A_282 : i32
      %ne3A_284 = arith.constant 0 : i32
      %ne3A_285 = arith.cmpi ne, %rem3A_283, %ne3A_284 : i32
      %lt3A_286 = arith.constant 0 : i32
      %lt3A_287 = arith.cmpi slt, %rem3A_283, %lt3A_286 : i32
      %lt3A_288 = arith.constant 0 : i32
      %lt3A_289 = arith.cmpi slt, %select_n3A_282, %lt3A_288 : i32
      %ne3A_290 = arith.xori %lt3A_287, %lt3A_289 : i1
      %and3A_291 = arith.andi %ne3A_290, %ne3A_285 : i1
      %add3A_292 = arith.addi %rem3A_283, %select_n3A_282 : i32
      %select_n3A_293 = arith.select %and3A_291, %add3A_292, %rem3A_283 : i32
      %add3A_294 = arith.constant 7 : i32
      %add3A_295 = arith.addi %add3A_257, %add3A_294 : i32
      %sub3A_296 = arith.constant 1 : i32
      %sub3A_297 = arith.subi %add3A_295, %sub3A_296 : i32
      %lt3A_298 = arith.constant 32 : i32
      %lt3A_299 = arith.cmpi slt, %sub3A_297, %lt3A_298 : i32
      %convert_element_type3A = arith.extui %lt3A_299 : i1 to i32
      %cond3A = arith.constant 0 : i32
      %cond3A_300 = arith.cmpi ne, %convert_element_type3A, %cond3A : i32
      scf.if %cond3A_300 {
        %gt3A = arith.constant 0 : i32
        %gt3A_332 = arith.cmpi sgt, %add3A_257, %gt3A : i32
        %convert_element_type3A_333 = arith.extui %gt3A_332 : i1 to i32
        %cond3A_334 = arith.constant 0 : i32
        %cond3A_335 = arith.cmpi ne, %convert_element_type3A_333, %cond3A_334 : i32
        scf.if %cond3A_335 {
          %sub3A_352 = arith.constant 1 : i32
          %sub3A_353 = arith.subi %add3A_257, %sub3A_352 : i32
          %mul3A_354 = arith.constant 256 : i32
          %mul3A_355 = arith.muli %add3A, %mul3A_354 : i32
          %mul3A_356 = arith.constant 8 : i32
          %mul3A_357 = arith.muli %sub3A_353, %mul3A_356 : i32
          %add3A_358 = arith.addi %mul3A_355, %mul3A_357 : i32
          %dma_wait3A_359 = arith.constant 0 : i32
          %dma_wait3A_360 = arith.constant 0 : i32
          %dma_wait3A_361 = tpu.memref_slice %arg6[%select_n3A_293, %dma_wait3A_359, %dma_wait3A_360] : memref<7x8x2048xf32, #tpu.memory_space<vmem>> -> memref<1x8x2048xf32, #tpu.memory_space<vmem>>
          %dma_wait3A_362 = tpu.memref_squeeze %dma_wait3A_361 : memref<1x8x2048xf32, #tpu.memory_space<vmem>> -> memref<8x2048xf32, #tpu.memory_space<vmem>>
          %dma_wait3A_363 = arith.constant 0 : i32
          %dma_wait3A_364 = tpu.memref_slice %arg4[%add3A_358, %dma_wait3A_363] : memref<8192x2048xf32, #tpu.memory_space<hbm>> -> memref<8x2048xf32, #tpu.memory_space<hbm>>
          %dma_wait3A_365 = tpu.memref_slice %arg8[%select_n3A_293] : memref<7x!tpu.dma_semaphore, #tpu.memory_space<semaphore_mem>> -> memref<1x!tpu.dma_semaphore, #tpu.memory_space<semaphore_mem>>
          %dma_wait3A_366 = tpu.memref_squeeze %dma_wait3A_365 : memref<1x!tpu.dma_semaphore, #tpu.memory_space<semaphore_mem>> -> memref<!tpu.dma_semaphore, #tpu.memory_space<semaphore_mem>>
          %dma_wait3A_367 = arith.constant 0 : i32
          %dma_wait3A_368 = tpu.memref_slice %arg4[%add3A_358, %dma_wait3A_367] : memref<8192x2048xf32, #tpu.memory_space<hbm>> -> memref<8x2048xf32, #tpu.memory_space<hbm>>
          %dma_wait3A_369 = arith.constant 0 : i32
          %dma_wait3A_370 = arith.constant 0 : i32
          %dma_wait3A_371 = tpu.memref_slice %arg6[%select_n3A_293, %dma_wait3A_369, %dma_wait3A_370] : memref<7x8x2048xf32, #tpu.memory_space<vmem>> -> memref<1x8x2048xf32, #tpu.memory_space<vmem>>
          %dma_wait3A_372 = tpu.memref_squeeze %dma_wait3A_371 : memref<1x8x2048xf32, #tpu.memory_space<vmem>> -> memref<8x2048xf32, #tpu.memory_space<vmem>>
          tpu.wait_dma2 semaphore(%dma_wait3A_366 : memref<!tpu.dma_semaphore, #tpu.memory_space<semaphore_mem>>) src(%dma_wait3A_372 : memref<8x2048xf32, #tpu.memory_space<vmem>>) dst(%dma_wait3A_368 : memref<8x2048xf32, #tpu.memory_space<hbm>>)
        } else {
        }
        %add3A_336 = arith.constant 7 : i32
        %add3A_337 = arith.addi %add3A_257, %add3A_336 : i32
        %sub3A_338 = arith.constant 1 : i32
        %sub3A_339 = arith.subi %add3A_337, %sub3A_338 : i32
        %mul3A_340 = arith.constant 8 : i32
        %mul3A_341 = arith.muli %sub3A_339, %mul3A_340 : i32
        %dma_start3A_342 = arith.constant 0 : i32
        %dma_start3A_343 = arith.constant 0 : i32
        %dma_start3A_344 = tpu.memref_slice %arg6[%select_n3A_293, %dma_start3A_342, %dma_start3A_343] : memref<7x8x2048xf32, #tpu.memory_space<vmem>> -> memref<1x8x2048xf32, #tpu.memory_space<vmem>>
        %dma_start3A_345 = tpu.memref_squeeze %dma_start3A_344 : memref<1x8x2048xf32, #tpu.memory_space<vmem>> -> memref<8x2048xf32, #tpu.memory_space<vmem>>
        %dma_start3A_346 = tpu.memref_slice %arg5[%mul3A_341] : memref<256xi32, #tpu.memory_space<vmem>> -> memref<8xi32, #tpu.memory_space<vmem>>
        %dma_start3A_347 = arith.constant 0 : i32
        %dma_start3A_348 = arith.constant 0 : i32
        %dma_start3A_349 = tpu.memref_slice %arg3[%dma_start3A_347, %dma_start3A_348] : memref<100000x2048xf32, #tpu.memory_space<hbm>> -> memref<100000x2048xf32, #tpu.memory_space<hbm>>
        %dma_start3A_350 = tpu.memref_slice %arg7[%select_n3A_293] : memref<7x!tpu.dma_semaphore, #tpu.memory_space<semaphore_mem>> -> memref<1x!tpu.dma_semaphore, #tpu.memory_space<semaphore_mem>>
        %dma_start3A_351 = tpu.memref_squeeze %dma_start3A_350 : memref<1x!tpu.dma_semaphore, #tpu.memory_space<semaphore_mem>> -> memref<!tpu.dma_semaphore, #tpu.memory_space<semaphore_mem>>
        tpu.enqueue_indirect_dma source(%dma_start3A_349 : memref<100000x2048xf32, #tpu.memory_space<hbm>>) target(%dma_start3A_345 : memref<8x2048xf32, #tpu.memory_space<vmem>>) offsets(%dma_start3A_346 : memref<8xi32, #tpu.memory_space<vmem>>) semaphore(%dma_start3A_351 : memref<!tpu.dma_semaphore, #tpu.memory_space<semaphore_mem>>)
      } else {
      }
      %mul3A_301 = arith.constant 8 : i32
      %mul3A_302 = arith.muli %add3A_257, %mul3A_301 : i32
      %dma_wait3A_303 = arith.constant 0 : i32
      %dma_wait3A_304 = arith.constant 0 : i32
      %dma_wait3A_305 = tpu.memref_slice %arg6[%select_n3A_273, %dma_wait3A_303, %dma_wait3A_304] : memref<7x8x2048xf32, #tpu.memory_space<vmem>> -> memref<1x8x2048xf32, #tpu.memory_space<vmem>>
      %dma_wait3A_306 = tpu.memref_squeeze %dma_wait3A_305 : memref<1x8x2048xf32, #tpu.memory_space<vmem>> -> memref<8x2048xf32, #tpu.memory_space<vmem>>
      %dma_wait3A_307 = tpu.memref_slice %arg5[%mul3A_302] : memref<256xi32, #tpu.memory_space<vmem>> -> memref<8xi32, #tpu.memory_space<vmem>>
      %dma_wait3A_308 = arith.constant 0 : i32
      %dma_wait3A_309 = arith.constant 0 : i32
      %dma_wait3A_310 = tpu.memref_slice %arg3[%dma_wait3A_308, %dma_wait3A_309] : memref<100000x2048xf32, #tpu.memory_space<hbm>> -> memref<100000x2048xf32, #tpu.memory_space<hbm>>
      %dma_wait3A_311 = tpu.memref_slice %arg7[%select_n3A_273] : memref<7x!tpu.dma_semaphore, #tpu.memory_space<semaphore_mem>> -> memref<1x!tpu.dma_semaphore, #tpu.memory_space<semaphore_mem>>
      %dma_wait3A_312 = tpu.memref_squeeze %dma_wait3A_311 : memref<1x!tpu.dma_semaphore, #tpu.memory_space<semaphore_mem>> -> memref<!tpu.dma_semaphore, #tpu.memory_space<semaphore_mem>>
      tpu.wait_indirect_dma semaphore(%dma_wait3A_312 : memref<!tpu.dma_semaphore, #tpu.memory_space<semaphore_mem>>) src(%dma_wait3A_310 : memref<100000x2048xf32, #tpu.memory_space<hbm>>) dst(%dma_wait3A_306 : memref<8x2048xf32, #tpu.memory_space<vmem>>)
      %mul3A_313 = arith.constant 256 : i32
      %mul3A_314 = arith.muli %add3A, %mul3A_313 : i32
      %mul3A_315 = arith.constant 8 : i32
      %mul3A_316 = arith.muli %add3A_257, %mul3A_315 : i32
      %add3A_317 = arith.addi %mul3A_314, %mul3A_316 : i32
      %dma_start3A_318 = arith.constant 0 : i32
      %dma_start3A_319 = arith.constant 0 : i32
      %dma_start3A_320 = tpu.memref_slice %arg6[%select_n3A_273, %dma_start3A_318, %dma_start3A_319] : memref<7x8x2048xf32, #tpu.memory_space<vmem>> -> memref<1x8x2048xf32, #tpu.memory_space<vmem>>
      %dma_start3A_321 = tpu.memref_squeeze %dma_start3A_320 : memref<1x8x2048xf32, #tpu.memory_space<vmem>> -> memref<8x2048xf32, #tpu.memory_space<vmem>>
      %dma_start3A_322 = arith.constant 0 : i32
      %dma_start3A_323 = tpu.memref_slice %arg4[%add3A_317, %dma_start3A_322] : memref<8192x2048xf32, #tpu.memory_space<hbm>> -> memref<8x2048xf32, #tpu.memory_space<hbm>>
      %dma_start3A_324 = tpu.memref_slice %arg8[%select_n3A_273] : memref<7x!tpu.dma_semaphore, #tpu.memory_space<semaphore_mem>> -> memref<1x!tpu.dma_semaphore, #tpu.memory_space<semaphore_mem>>
      %dma_start3A_325 = tpu.memref_squeeze %dma_start3A_324 : memref<1x!tpu.dma_semaphore, #tpu.memory_space<semaphore_mem>> -> memref<!tpu.dma_semaphore, #tpu.memory_space<semaphore_mem>>
      %dma_start3A_326 = arith.constant 0 : i32
      %dma_start3A_327 = tpu.memref_slice %arg4[%add3A_317, %dma_start3A_326] : memref<8192x2048xf32, #tpu.memory_space<hbm>> -> memref<8x2048xf32, #tpu.memory_space<hbm>>
      %dma_start3A_328 = arith.constant 0 : i32
      %dma_start3A_329 = arith.constant 0 : i32
      %dma_start3A_330 = tpu.memref_slice %arg6[%select_n3A_273, %dma_start3A_328, %dma_start3A_329] : memref<7x8x2048xf32, #tpu.memory_space<vmem>> -> memref<1x8x2048xf32, #tpu.memory_space<vmem>>
      %dma_start3A_331 = tpu.memref_squeeze %dma_start3A_330 : memref<1x8x2048xf32, #tpu.memory_space<vmem>> -> memref<8x2048xf32, #tpu.memory_space<vmem>>
      tpu.enqueue_dma source(%dma_start3A_331 : memref<8x2048xf32, #tpu.memory_space<vmem>>) target(%dma_start3A_327 : memref<8x2048xf32, #tpu.memory_space<hbm>>) target_semaphore(%dma_start3A_325 : memref<!tpu.dma_semaphore, #tpu.memory_space<semaphore_mem>>)
    }
    %scan3A_113 = arith.constant 32 : i32
    %mul3A_114 = arith.constant 256 : i32
    %mul3A_115 = arith.muli %add3A, %mul3A_114 : i32
    %add3A_116 = arith.constant 200 : i32
    %add3A_117 = arith.addi %mul3A_115, %add3A_116 : i32
    %dma_wait3A = arith.constant 4 : i32
    %dma_wait3A_118 = arith.constant 4 : i32
    %dma_wait3A_119 = arith.constant 0 : i32
    %dma_wait3A_120 = arith.constant 0 : i32
    %dma_wait3A_121 = tpu.memref_slice %arg6[%dma_wait3A, %dma_wait3A_119, %dma_wait3A_120] : memref<7x8x2048xf32, #tpu.memory_space<vmem>> -> memref<1x8x2048xf32, #tpu.memory_space<vmem>>
    %dma_wait3A_122 = tpu.memref_squeeze %dma_wait3A_121 : memref<1x8x2048xf32, #tpu.memory_space<vmem>> -> memref<8x2048xf32, #tpu.memory_space<vmem>>
    %dma_wait3A_123 = arith.constant 0 : i32
    %dma_wait3A_124 = tpu.memref_slice %arg4[%add3A_117, %dma_wait3A_123] : memref<8192x2048xf32, #tpu.memory_space<hbm>> -> memref<8x2048xf32, #tpu.memory_space<hbm>>
    %dma_wait3A_125 = tpu.memref_slice %arg8[%dma_wait3A_118] : memref<7x!tpu.dma_semaphore, #tpu.memory_space<semaphore_mem>> -> memref<1x!tpu.dma_semaphore, #tpu.memory_space<semaphore_mem>>
    %dma_wait3A_126 = tpu.memref_squeeze %dma_wait3A_125 : memref<1x!tpu.dma_semaphore, #tpu.memory_space<semaphore_mem>> -> memref<!tpu.dma_semaphore, #tpu.memory_space<semaphore_mem>>
    %dma_wait3A_127 = arith.constant 0 : i32
    %dma_wait3A_128 = tpu.memref_slice %arg4[%add3A_117, %dma_wait3A_127] : memref<8192x2048xf32, #tpu.memory_space<hbm>> -> memref<8x2048xf32, #tpu.memory_space<hbm>>
    %dma_wait3A_129 = arith.constant 0 : i32
    %dma_wait3A_130 = arith.constant 0 : i32
    %dma_wait3A_131 = tpu.memref_slice %arg6[%dma_wait3A, %dma_wait3A_129, %dma_wait3A_130] : memref<7x8x2048xf32, #tpu.memory_space<vmem>> -> memref<1x8x2048xf32, #tpu.memory_space<vmem>>
    %dma_wait3A_132 = tpu.memref_squeeze %dma_wait3A_131 : memref<1x8x2048xf32, #tpu.memory_space<vmem>> -> memref<8x2048xf32, #tpu.memory_space<vmem>>
    tpu.wait_dma2 semaphore(%dma_wait3A_126 : memref<!tpu.dma_semaphore, #tpu.memory_space<semaphore_mem>>) src(%dma_wait3A_132 : memref<8x2048xf32, #tpu.memory_space<vmem>>) dst(%dma_wait3A_128 : memref<8x2048xf32, #tpu.memory_space<hbm>>)
    %mul3A_133 = arith.constant 256 : i32
    %mul3A_134 = arith.muli %add3A, %mul3A_133 : i32
    %add3A_135 = arith.constant 208 : i32
    %add3A_136 = arith.addi %mul3A_134, %add3A_135 : i32
    %dma_wait3A_137 = arith.constant 5 : i32
    %dma_wait3A_138 = arith.constant 5 : i32
    %dma_wait3A_139 = arith.constant 0 : i32
    %dma_wait3A_140 = arith.constant 0 : i32
    %dma_wait3A_141 = tpu.memref_slice %arg6[%dma_wait3A_137, %dma_wait3A_139, %dma_wait3A_140] : memref<7x8x2048xf32, #tpu.memory_space<vmem>> -> memref<1x8x2048xf32, #tpu.memory_space<vmem>>
    %dma_wait3A_142 = tpu.memref_squeeze %dma_wait3A_141 : memref<1x8x2048xf32, #tpu.memory_space<vmem>> -> memref<8x2048xf32, #tpu.memory_space<vmem>>
    %dma_wait3A_143 = arith.constant 0 : i32
    %dma_wait3A_144 = tpu.memref_slice %arg4[%add3A_136, %dma_wait3A_143] : memref<8192x2048xf32, #tpu.memory_space<hbm>> -> memref<8x2048xf32, #tpu.memory_space<hbm>>
    %dma_wait3A_145 = tpu.memref_slice %arg8[%dma_wait3A_138] : memref<7x!tpu.dma_semaphore, #tpu.memory_space<semaphore_mem>> -> memref<1x!tpu.dma_semaphore, #tpu.memory_space<semaphore_mem>>
    %dma_wait3A_146 = tpu.memref_squeeze %dma_wait3A_145 : memref<1x!tpu.dma_semaphore, #tpu.memory_space<semaphore_mem>> -> memref<!tpu.dma_semaphore, #tpu.memory_space<semaphore_mem>>
    %dma_wait3A_147 = arith.constant 0 : i32
    %dma_wait3A_148 = tpu.memref_slice %arg4[%add3A_136, %dma_wait3A_147] : memref<8192x2048xf32, #tpu.memory_space<hbm>> -> memref<8x2048xf32, #tpu.memory_space<hbm>>
    %dma_wait3A_149 = arith.constant 0 : i32
    %dma_wait3A_150 = arith.constant 0 : i32
    %dma_wait3A_151 = tpu.memref_slice %arg6[%dma_wait3A_137, %dma_wait3A_149, %dma_wait3A_150] : memref<7x8x2048xf32, #tpu.memory_space<vmem>> -> memref<1x8x2048xf32, #tpu.memory_space<vmem>>
    %dma_wait3A_152 = tpu.memref_squeeze %dma_wait3A_151 : memref<1x8x2048xf32, #tpu.memory_space<vmem>> -> memref<8x2048xf32, #tpu.memory_space<vmem>>
    tpu.wait_dma2 semaphore(%dma_wait3A_146 : memref<!tpu.dma_semaphore, #tpu.memory_space<semaphore_mem>>) src(%dma_wait3A_152 : memref<8x2048xf32, #tpu.memory_space<vmem>>) dst(%dma_wait3A_148 : memref<8x2048xf32, #tpu.memory_space<hbm>>)
    %mul3A_153 = arith.constant 256 : i32
    %mul3A_154 = arith.muli %add3A, %mul3A_153 : i32
    %add3A_155 = arith.constant 216 : i32
    %add3A_156 = arith.addi %mul3A_154, %add3A_155 : i32
    %dma_wait3A_157 = arith.constant 6 : i32
    %dma_wait3A_158 = arith.constant 6 : i32
    %dma_wait3A_159 = arith.constant 0 : i32
    %dma_wait3A_160 = arith.constant 0 : i32
    %dma_wait3A_161 = tpu.memref_slice %arg6[%dma_wait3A_157, %dma_wait3A_159, %dma_wait3A_160] : memref<7x8x2048xf32, #tpu.memory_space<vmem>> -> memref<1x8x2048xf32, #tpu.memory_space<vmem>>
    %dma_wait3A_162 = tpu.memref_squeeze %dma_wait3A_161 : memref<1x8x2048xf32, #tpu.memory_space<vmem>> -> memref<8x2048xf32, #tpu.memory_space<vmem>>
    %dma_wait3A_163 = arith.constant 0 : i32
    %dma_wait3A_164 = tpu.memref_slice %arg4[%add3A_156, %dma_wait3A_163] : memref<8192x2048xf32, #tpu.memory_space<hbm>> -> memref<8x2048xf32, #tpu.memory_space<hbm>>
    %dma_wait3A_165 = tpu.memref_slice %arg8[%dma_wait3A_158] : memref<7x!tpu.dma_semaphore, #tpu.memory_space<semaphore_mem>> -> memref<1x!tpu.dma_semaphore, #tpu.memory_space<semaphore_mem>>
    %dma_wait3A_166 = tpu.memref_squeeze %dma_wait3A_165 : memref<1x!tpu.dma_semaphore, #tpu.memory_space<semaphore_mem>> -> memref<!tpu.dma_semaphore, #tpu.memory_space<semaphore_mem>>
    %dma_wait3A_167 = arith.constant 0 : i32
    %dma_wait3A_168 = tpu.memref_slice %arg4[%add3A_156, %dma_wait3A_167] : memref<8192x2048xf32, #tpu.memory_space<hbm>> -> memref<8x2048xf32, #tpu.memory_space<hbm>>
    %dma_wait3A_169 = arith.constant 0 : i32
    %dma_wait3A_170 = arith.constant 0 : i32
    %dma_wait3A_171 = tpu.memref_slice %arg6[%dma_wait3A_157, %dma_wait3A_169, %dma_wait3A_170] : memref<7x8x2048xf32, #tpu.memory_space<vmem>> -> memref<1x8x2048xf32, #tpu.memory_space<vmem>>
    %dma_wait3A_172 = tpu.memref_squeeze %dma_wait3A_171 : memref<1x8x2048xf32, #tpu.memory_space<vmem>> -> memref<8x2048xf32, #tpu.memory_space<vmem>>
    tpu.wait_dma2 semaphore(%dma_wait3A_166 : memref<!tpu.dma_semaphore, #tpu.memory_space<semaphore_mem>>) src(%dma_wait3A_172 : memref<8x2048xf32, #tpu.memory_space<vmem>>) dst(%dma_wait3A_168 : memref<8x2048xf32, #tpu.memory_space<hbm>>)
    %mul3A_173 = arith.constant 256 : i32
    %mul3A_174 = arith.muli %add3A, %mul3A_173 : i32
    %add3A_175 = arith.constant 224 : i32
    %add3A_176 = arith.addi %mul3A_174, %add3A_175 : i32
    %dma_wait3A_177 = arith.constant 0 : i32
    %dma_wait3A_178 = arith.constant 0 : i32
    %dma_wait3A_179 = arith.constant 0 : i32
    %dma_wait3A_180 = arith.constant 0 : i32
    %dma_wait3A_181 = tpu.memref_slice %arg6[%dma_wait3A_177, %dma_wait3A_179, %dma_wait3A_180] : memref<7x8x2048xf32, #tpu.memory_space<vmem>> -> memref<1x8x2048xf32, #tpu.memory_space<vmem>>
    %dma_wait3A_182 = tpu.memref_squeeze %dma_wait3A_181 : memref<1x8x2048xf32, #tpu.memory_space<vmem>> -> memref<8x2048xf32, #tpu.memory_space<vmem>>
    %dma_wait3A_183 = arith.constant 0 : i32
    %dma_wait3A_184 = tpu.memref_slice %arg4[%add3A_176, %dma_wait3A_183] : memref<8192x2048xf32, #tpu.memory_space<hbm>> -> memref<8x2048xf32, #tpu.memory_space<hbm>>
    %dma_wait3A_185 = tpu.memref_slice %arg8[%dma_wait3A_178] : memref<7x!tpu.dma_semaphore, #tpu.memory_space<semaphore_mem>> -> memref<1x!tpu.dma_semaphore, #tpu.memory_space<semaphore_mem>>
    %dma_wait3A_186 = tpu.memref_squeeze %dma_wait3A_185 : memref<1x!tpu.dma_semaphore, #tpu.memory_space<semaphore_mem>> -> memref<!tpu.dma_semaphore, #tpu.memory_space<semaphore_mem>>
    %dma_wait3A_187 = arith.constant 0 : i32
    %dma_wait3A_188 = tpu.memref_slice %arg4[%add3A_176, %dma_wait3A_187] : memref<8192x2048xf32, #tpu.memory_space<hbm>> -> memref<8x2048xf32, #tpu.memory_space<hbm>>
    %dma_wait3A_189 = arith.constant 0 : i32
    %dma_wait3A_190 = arith.constant 0 : i32
    %dma_wait3A_191 = tpu.memref_slice %arg6[%dma_wait3A_177, %dma_wait3A_189, %dma_wait3A_190] : memref<7x8x2048xf32, #tpu.memory_space<vmem>> -> memref<1x8x2048xf32, #tpu.memory_space<vmem>>
    %dma_wait3A_192 = tpu.memref_squeeze %dma_wait3A_191 : memref<1x8x2048xf32, #tpu.memory_space<vmem>> -> memref<8x2048xf32, #tpu.memory_space<vmem>>
    tpu.wait_dma2 semaphore(%dma_wait3A_186 : memref<!tpu.dma_semaphore, #tpu.memory_space<semaphore_mem>>) src(%dma_wait3A_192 : memref<8x2048xf32, #tpu.memory_space<vmem>>) dst(%dma_wait3A_188 : memref<8x2048xf32, #tpu.memory_space<hbm>>)
    %mul3A_193 = arith.constant 256 : i32
    %mul3A_194 = arith.muli %add3A, %mul3A_193 : i32
    %add3A_195 = arith.constant 232 : i32
    %add3A_196 = arith.addi %mul3A_194, %add3A_195 : i32
    %dma_wait3A_197 = arith.constant 1 : i32
    %dma_wait3A_198 = arith.constant 1 : i32
    %dma_wait3A_199 = arith.constant 0 : i32
    %dma_wait3A_200 = arith.constant 0 : i32
    %dma_wait3A_201 = tpu.memref_slice %arg6[%dma_wait3A_197, %dma_wait3A_199, %dma_wait3A_200] : memref<7x8x2048xf32, #tpu.memory_space<vmem>> -> memref<1x8x2048xf32, #tpu.memory_space<vmem>>
    %dma_wait3A_202 = tpu.memref_squeeze %dma_wait3A_201 : memref<1x8x2048xf32, #tpu.memory_space<vmem>> -> memref<8x2048xf32, #tpu.memory_space<vmem>>
    %dma_wait3A_203 = arith.constant 0 : i32
    %dma_wait3A_204 = tpu.memref_slice %arg4[%add3A_196, %dma_wait3A_203] : memref<8192x2048xf32, #tpu.memory_space<hbm>> -> memref<8x2048xf32, #tpu.memory_space<hbm>>
    %dma_wait3A_205 = tpu.memref_slice %arg8[%dma_wait3A_198] : memref<7x!tpu.dma_semaphore, #tpu.memory_space<semaphore_mem>> -> memref<1x!tpu.dma_semaphore, #tpu.memory_space<semaphore_mem>>
    %dma_wait3A_206 = tpu.memref_squeeze %dma_wait3A_205 : memref<1x!tpu.dma_semaphore, #tpu.memory_space<semaphore_mem>> -> memref<!tpu.dma_semaphore, #tpu.memory_space<semaphore_mem>>
    %dma_wait3A_207 = arith.constant 0 : i32
    %dma_wait3A_208 = tpu.memref_slice %arg4[%add3A_196, %dma_wait3A_207] : memref<8192x2048xf32, #tpu.memory_space<hbm>> -> memref<8x2048xf32, #tpu.memory_space<hbm>>
    %dma_wait3A_209 = arith.constant 0 : i32
    %dma_wait3A_210 = arith.constant 0 : i32
    %dma_wait3A_211 = tpu.memref_slice %arg6[%dma_wait3A_197, %dma_wait3A_209, %dma_wait3A_210] : memref<7x8x2048xf32, #tpu.memory_space<vmem>> -> memref<1x8x2048xf32, #tpu.memory_space<vmem>>
    %dma_wait3A_212 = tpu.memref_squeeze %dma_wait3A_211 : memref<1x8x2048xf32, #tpu.memory_space<vmem>> -> memref<8x2048xf32, #tpu.memory_space<vmem>>
    tpu.wait_dma2 semaphore(%dma_wait3A_206 : memref<!tpu.dma_semaphore, #tpu.memory_space<semaphore_mem>>) src(%dma_wait3A_212 : memref<8x2048xf32, #tpu.memory_space<vmem>>) dst(%dma_wait3A_208 : memref<8x2048xf32, #tpu.memory_space<hbm>>)
    %mul3A_213 = arith.constant 256 : i32
    %mul3A_214 = arith.muli %add3A, %mul3A_213 : i32
    %add3A_215 = arith.constant 240 : i32
    %add3A_216 = arith.addi %mul3A_214, %add3A_215 : i32
    %dma_wait3A_217 = arith.constant 2 : i32
    %dma_wait3A_218 = arith.constant 2 : i32
    %dma_wait3A_219 = arith.constant 0 : i32
    %dma_wait3A_220 = arith.constant 0 : i32
    %dma_wait3A_221 = tpu.memref_slice %arg6[%dma_wait3A_217, %dma_wait3A_219, %dma_wait3A_220] : memref<7x8x2048xf32, #tpu.memory_space<vmem>> -> memref<1x8x2048xf32, #tpu.memory_space<vmem>>
    %dma_wait3A_222 = tpu.memref_squeeze %dma_wait3A_221 : memref<1x8x2048xf32, #tpu.memory_space<vmem>> -> memref<8x2048xf32, #tpu.memory_space<vmem>>
    %dma_wait3A_223 = arith.constant 0 : i32
    %dma_wait3A_224 = tpu.memref_slice %arg4[%add3A_216, %dma_wait3A_223] : memref<8192x2048xf32, #tpu.memory_space<hbm>> -> memref<8x2048xf32, #tpu.memory_space<hbm>>
    %dma_wait3A_225 = tpu.memref_slice %arg8[%dma_wait3A_218] : memref<7x!tpu.dma_semaphore, #tpu.memory_space<semaphore_mem>> -> memref<1x!tpu.dma_semaphore, #tpu.memory_space<semaphore_mem>>
    %dma_wait3A_226 = tpu.memref_squeeze %dma_wait3A_225 : memref<1x!tpu.dma_semaphore, #tpu.memory_space<semaphore_mem>> -> memref<!tpu.dma_semaphore, #tpu.memory_space<semaphore_mem>>
    %dma_wait3A_227 = arith.constant 0 : i32
    %dma_wait3A_228 = tpu.memref_slice %arg4[%add3A_216, %dma_wait3A_227] : memref<8192x2048xf32, #tpu.memory_space<hbm>> -> memref<8x2048xf32, #tpu.memory_space<hbm>>
    %dma_wait3A_229 = arith.constant 0 : i32
    %dma_wait3A_230 = arith.constant 0 : i32
    %dma_wait3A_231 = tpu.memref_slice %arg6[%dma_wait3A_217, %dma_wait3A_229, %dma_wait3A_230] : memref<7x8x2048xf32, #tpu.memory_space<vmem>> -> memref<1x8x2048xf32, #tpu.memory_space<vmem>>
    %dma_wait3A_232 = tpu.memref_squeeze %dma_wait3A_231 : memref<1x8x2048xf32, #tpu.memory_space<vmem>> -> memref<8x2048xf32, #tpu.memory_space<vmem>>
    tpu.wait_dma2 semaphore(%dma_wait3A_226 : memref<!tpu.dma_semaphore, #tpu.memory_space<semaphore_mem>>) src(%dma_wait3A_232 : memref<8x2048xf32, #tpu.memory_space<vmem>>) dst(%dma_wait3A_228 : memref<8x2048xf32, #tpu.memory_space<hbm>>)
    %mul3A_233 = arith.constant 256 : i32
    %mul3A_234 = arith.muli %add3A, %mul3A_233 : i32
    %add3A_235 = arith.constant 248 : i32
    %add3A_236 = arith.addi %mul3A_234, %add3A_235 : i32
    %dma_wait3A_237 = arith.constant 3 : i32
    %dma_wait3A_238 = arith.constant 3 : i32
    %dma_wait3A_239 = arith.constant 0 : i32
    %dma_wait3A_240 = arith.constant 0 : i32
    %dma_wait3A_241 = tpu.memref_slice %arg6[%dma_wait3A_237, %dma_wait3A_239, %dma_wait3A_240] : memref<7x8x2048xf32, #tpu.memory_space<vmem>> -> memref<1x8x2048xf32, #tpu.memory_space<vmem>>
    %dma_wait3A_242 = tpu.memref_squeeze %dma_wait3A_241 : memref<1x8x2048xf32, #tpu.memory_space<vmem>> -> memref<8x2048xf32, #tpu.memory_space<vmem>>
    %dma_wait3A_243 = arith.constant 0 : i32
    %dma_wait3A_244 = tpu.memref_slice %arg4[%add3A_236, %dma_wait3A_243] : memref<8192x2048xf32, #tpu.memory_space<hbm>> -> memref<8x2048xf32, #tpu.memory_space<hbm>>
    %dma_wait3A_245 = tpu.memref_slice %arg8[%dma_wait3A_238] : memref<7x!tpu.dma_semaphore, #tpu.memory_space<semaphore_mem>> -> memref<1x!tpu.dma_semaphore, #tpu.memory_space<semaphore_mem>>
    %dma_wait3A_246 = tpu.memref_squeeze %dma_wait3A_245 : memref<1x!tpu.dma_semaphore, #tpu.memory_space<semaphore_mem>> -> memref<!tpu.dma_semaphore, #tpu.memory_space<semaphore_mem>>
    %dma_wait3A_247 = arith.constant 0 : i32
    %dma_wait3A_248 = tpu.memref_slice %arg4[%add3A_236, %dma_wait3A_247] : memref<8192x2048xf32, #tpu.memory_space<hbm>> -> memref<8x2048xf32, #tpu.memory_space<hbm>>
    %dma_wait3A_249 = arith.constant 0 : i32
    %dma_wait3A_250 = arith.constant 0 : i32
    %dma_wait3A_251 = tpu.memref_slice %arg6[%dma_wait3A_237, %dma_wait3A_249, %dma_wait3A_250] : memref<7x8x2048xf32, #tpu.memory_space<vmem>> -> memref<1x8x2048xf32, #tpu.memory_space<vmem>>
    %dma_wait3A_252 = tpu.memref_squeeze %dma_wait3A_251 : memref<1x8x2048xf32, #tpu.memory_space<vmem>> -> memref<8x2048xf32, #tpu.memory_space<vmem>>
    tpu.wait_dma2 semaphore(%dma_wait3A_246 : memref<!tpu.dma_semaphore, #tpu.memory_space<semaphore_mem>>) src(%dma_wait3A_252 : memref<8x2048xf32, #tpu.memory_space<vmem>>) dst(%dma_wait3A_248 : memref<8x2048xf32, #tpu.memory_space<hbm>>)
    return
  }
}

</mosaic_0001>

<sc_bundles>
// kernel: _sc_gather.3.cloned.1.call-start
scs
__scs_entry_jumppad:
0x0: {  	(pc) =	sbr.rel $0x88, $3  }
0x1: {  	(tag) =	ssettag $0x0;
	lr =	simm.s32 $0x1  }
0x2: {  	[smem:$0x3F9F] =	sst lr;
	_ =	strace $0xD0000000  }
0x3: {  	_ = 	snop  }
0x4: {  	_ = 	snop  }
0x5: {  	_ = 	snop  }
0x6: {  	_ = 	snop  }
0x7: {  	_ = 	snop  }
__scs_overlays_trampoline_lowered:
0x8: {  	[smem:$0x3FAE] =	sst s0  }
0x9: {  	[smem:$0x3FAF] =	sst s1  }
0xa: {  	[smem:$0x3FB0] =	sst s2  }
0xb: {  	[smem:$0x3FB1] =	sst s3  }
0xc: {  	[smem:$0x3FB2] =	sst s4  }
0xd: {  	[smem:$0x3FB3] =	sst s5  }
0xe: {  	[smem:$0x3FB4] =	sst s6  }
0xf: {  	[smem:$0x3FB5] =	sst s7  }
0x10: {  	[smem:$0x3FB6] =	sst s8  }
0x11: {  	[smem:$0x3FB7] =	sst s9;
	s0 =	simm.s32 @!p0 $0x0  }
0x12: {  	s1 =	sld [smem:$0x3F9D];
	s0 =	simm.s32 @p0 $0x1  }
0x13: {  	[smem:$0x3FB8] =	sst s0;
	s0 =	simm.s32 @!p1 $0x0  }
0x14: {  	s2 =	sld [smem:$0x3F9C];
	s0 =	simm.s32 @p1 $0x1  }
0x15: {  	[smem:$0x3FB9] =	sst s0;
	s0 =	simm.s32 @!p2 $0x0  }
0x16: {  	s3 =	sld [smem:$0x3FDB];
	s0 =	simm.s32 @p2 $0x1  }
0x17: {  	s4 =	simm.s32 $0x1BF5;
	[smem:$0x3FBB] =	sst s0  }
0x18: {  	s0 =	sld [smem:$0x3F9E];
	_ =	swait.ge [sflag:s4], $0x0  }
0x19: {  	s7 =	sld [smem:$0x3F9F]  }
0x1a: {  	s8 =	sadd.s32 $0xFFFFE003, lr  }
0x1b: {  	s9 =	sadd.s32 $0xFFFFFEF7, lr;
	s5 =	simm.s32 $0xFFFFFFFF;
	p2 =	slt.u32 s8, $0xFFFFF086  }
0x1c: {  	p1 =	slt.u32 s9, $0xF7A;
	s5 =	simm.s32 @!p2 $0x0  }
0x1d: {  	s5 =	simm.s32 @p1 $0x1;
	p0 =	seq.s32 s7, s2  }
0x1e: {  	s7 =	smul.u32 @!p0 $0xF7A, s2;
	p2 =	seq.s32 @!p0 s5, $0x0  }
0x1f: {  	s9 =	smul.u32 $0xF7A, s1;
	s8 =	simm.s32 @!p0 $0x1BF5;
	p2 =	por !p2, p0  }
0x20: {  	[sflag:s8] =	ssyncset.s32 @!p0 $0xFFFFF086;
	s6 =	sadd.s32 @!p0 s3, s7;
	s7 =	simm.s32 @!p0 $0x108  }
0x21: {  	s3 =	sadd.s32 s3, s9;
	s6 =	sadd.s32 @!p0 $0x88, s6;
	s7 =	simm.s32 @p2 $0x1082  }
0x22: {  	[simem:s7], [sflag:s8] =	dma.local @!p0 [hbm:s6], $0xF7A  }
0x23: {  	s9 =	sor.u32 $0xD0000000, s2;
	s6 =	simm.s32 $0x108;
	_ =	swait.ge @!p0 [sflag:s8], $0x0  }
0x24: {  	s3 =	sadd.s32 $0x88, s3;
	s6 =	simm.s32 @!p1 $0x1082;
	[sflag:s4] =	ssyncset.s32 $0xFFFFF086  }
0x25: {  	[simem:s6], [sflag:s4] =	dma.local [hbm:s3], $0xF7A  }
0x26: {  	[smem:$0x3F9F] =	sst s1;
	(tag) =	ssettag s2;
	_ =	strace s9  }
0x27: {  	s1 =	sld [smem:$0x3FAF]  }
0x28: {  	s2 =	sld [smem:$0x3FB0]  }
0x29: {  	s4 =	sld [smem:$0x3FB2]  }
0x2a: {  	p0 =	seq.s32 s5, $0x0;
	s5 =	sld [smem:$0x3FB3]  }
0x2b: {  	s6 =	sld [smem:$0x3FB4]  }
0x2c: {  	s7 =	sld [smem:$0x3FB5]  }
0x2d: {  	s3 =	simm.s32 $0x108;
	s8 =	sld [smem:$0x3FB6]  }
0x2e: {  	s3 =	simm.s32 @!p0 $0x1082;
	s9 =	sld [smem:$0x3FB7]  }
0x2f: {  	lr =	sadd.s32 s0, s3;
	s0 =	sld [smem:$0x3FAE]  }
0x30: {  	s3 =	sld [smem:$0x3FB1]  }
0x31: {  	[smem:$0x3FBA] =	sst s10  }
0x32: {  	s10 =	sld [smem:$0x3FB8];
	_ =	sdelay $0x3  }
0x33: {  	p0 =	seq.s32 s10, $0x1;
	s10 =	sld [smem:$0x3FBA];
	_ =	sdelay $0x3  }
0x34: {  	[smem:$0x3FBA] =	sst s10  }
0x35: {  	s10 =	sld [smem:$0x3FB9];
	_ =	sdelay $0x3  }
0x36: {  	p1 =	seq.s32 s10, $0x1;
	s10 =	sld [smem:$0x3FBA];
	_ =	sdelay $0x3  }
0x37: {  	[smem:$0x3FBA] =	sst s10  }
0x38: {  	s10 =	sld [smem:$0x3FBB]  }
0x39: {  	_ = 	snop;
	(pc) =	sbr.ind lr, $3  }
0x3a: {  	_ = 	snop  }
0x3b: {  	_ = 	snop  }
0x3c: {  	p2 =	seq.s32 s10, $0x1;
	s10 =	sld [smem:$0x3FBA]  }
0x3d: {  	_ =	shalt  }
0x3e: {  	_ =	shalt  }
0x3f: {  	_ =	shalt  }
0x40: {  	_ =	shalt  }
0x41: {  	_ =	shalt  }
0x42: {  	_ =	shalt  }
0x43: {  	_ =	shalt  }
0x44: {  	_ =	shalt  }
0x45: {  	_ =	shalt  }
0x46: {  	_ =	shalt  }
0x47: {  	_ =	shalt  }
0x48: {  	_ =	shalt  }
0x49: {  	_ =	shalt  }
0x4a: {  	_ =	shalt  }
0x4b: {  	_ =	shalt  }
0x4c: {  	_ =	shalt  }
0x4d: {  	_ =	shalt  }
0x4e: {  	_ =	shalt  }
0x4f: {  	_ =	shalt  }
0x50: {  	_ =	shalt  }
0x51: {  	_ =	shalt  }
0x52: {  	_ =	shalt  }
0x53: {  	_ =	shalt  }
0x54: {  	_ =	shalt  }
0x55: {  	_ =	shalt  }
0x56: {  	_ =	shalt  }
0x57: {  	_ =	shalt  }
0x58: {  	_ =	shalt  }
0x59: {  	_ =	shalt  }
0x5a: {  	_ =	shalt  }
0x5b: {  	_ =	shalt  }
0x5c: {  	_ =	shalt  }
0x5d: {  	_ =	shalt  }
0x5e: {  	_ =	shalt  }
0x5f: {  	_ =	shalt  }
0x60: {  	_ =	shalt  }
0x61: {  	_ =	shalt  }
0x62: {  	_ =	shalt  }
0x63: {  	_ =	shalt  }
0x64: {  	_ =	shalt  }
0x65: {  	_ =	shalt  }
0x66: {  	_ =	shalt  }
0x67: {  	_ =	shalt  }
0x68: {  	_ =	shalt  }
0x69: {  	_ =	shalt  }
0x6a: {  	_ =	shalt  }
0x6b: {  	_ =	shalt  }
0x6c: {  	_ =	shalt  }
0x6d: {  	_ =	shalt  }
0x6e: {  	_ =	shalt  }
0x6f: {  	_ =	shalt  }
0x70: {  	_ =	shalt  }
0x71: {  	_ =	shalt  }
0x72: {  	_ =	shalt  }
0x73: {  	_ =	shalt  }
0x74: {  	_ =	shalt  }
0x75: {  	_ =	shalt  }
0x76: {  	_ =	shalt  }
0x77: {  	_ =	shalt  }
0x78: {  	_ =	shalt  }
0x79: {  	_ =	shalt  }
0x7a: {  	_ =	shalt  }
0x7b: {  	_ =	shalt  }
0x7c: {  	_ =	shalt  }
0x7d: {  	_ =	shalt  }
0x7e: {  	_ =	shalt  }
0x7f: {  	_ =	shalt  }
0x80: {  	_ =	shalt  }
0x81: {  	_ =	shalt  }
0x82: {  	_ =	shalt  }
0x83: {  	_ =	shalt  }
0x84: {  	_ =	shalt  }
0x85: {  	_ =	shalt  }
0x86: {  	_ =	shalt  }
0x87: {  	_ =	shalt  }
.Lfunc_end0:
.L_simem_size_0:
called_computation_lowered:
.L_overlay_start_0:
0x88: {  	s2 =	sld [smem:$0x3FD9]  }
0x89: {  	s3 =	sld [smem:$0x3FFE];
	_ =	sdelay $0x1  }
0x8a: {  	s1 =	srdreg.scid  }
0x8b: {  	s0 =	sand.u32 $0x1, s1  }
0x8c: {  	s18 =	sshll.u32 s0, $0xA;
	s2 =	sadd.s32 s3, s2  }
0x8d: {  	s2 =	sadd.s32 s2, s18  }
0x8e: {  	[smem:$0x3FC6] =	sst s2  }
0x8f: {  	_ = 	snop  }
0x90: {  	s2 =	sld [smem:$0x3FC9]  }
0x91: {  	s19 =	sld [smem:$0x3FC8]  }
0x92: {  	s4 =	sld [smem:$0x3FD0];
	(tm) =	ssettm $0x1  }
0x93: {  	s5 =	sld [smem:$0x3FFB];
	_ =	sdelay $0x3  }
0x94: {  	_ =	strace s5  }
0x95: {  	s5 =	sld [smem:$0x3FFC];
	_ =	sdelay $0x3  }
0x96: {  	_ =	strace s5  }
0x97: {  	s5 =	sld [smem:$0x3FFD];
	_ =	sdelay $0x3  }
0x98: {  	_ =	strace s5  }
0x99: {  	_ =	strace $0x8FFFFFFF  }
0x9a: {  	s20 =	sld [smem:$0x3FDB];
	_ =	sdelay $0x1  }
0x9b: {  	s6 =	simm.s32 $_scs_section_size  }
0x9c: {  	s7 =	simm.s32 $_size__tile_overlayer_lowered;
	s8 =	simm.s32 $_tile_overlayer_lowered  }
0x9d: {  	s23 =	simm.s32 $0x1BFF;
	s22 =	sshll.u32 s8, $0x1;
	s5 =	sadd.s32 s6, s20  }
0x9e: {  	s9 =	simm.s32 $0x0;
	s21 =	sshll.u32 s7, $0x1;
	s7 =	sadd.s32 s22, s5  }
0x9f: {  	[timem:s9], [sflag:s23] =	dma.local [hbm:s7], s21  }
0xa0: {  	_ =	swait.ge [sflag:s23], s21  }
0xa1: {  	s6 =	ssub.s32 $0x0, s21;
	[sflag:s23] =	ssyncset.done $0x0  }
0xa2: {  	[sflag:s23] =	ssyncadd.s32 s6;
	_ =	sdelay $0x1  }
0xa3: {  	s24 =	simm.s32 $0x1B8B  }
0xa4: {  	_ =	swait.ge [sflag:s24], $0x1  }
0xa5: {  	[sflag:s24] =	ssyncset.done $0x0  }
0xa6: {  	s25 =	simm.s32 $0x1B8E;
	[sflag:s24] =	ssyncadd.s32 $0xFFFFFFFF  }
0xa7: {  	s26 =	simm.s32 $execute0_lowered;
	[smem:$0x3FD2] =	sst s25  }
0xa8: {  	s6 =	sshll.u32 s26, $0x1;
	_ =	strace $0x80000046;
	[dreg:$0x1] =	wrdreg $0xFFFFFFFF  }
0xa9: {  	s28 =	simm.s32 $_size_execute0_lowered;
	s5 =	sadd.s32 s5, s6;
	[dreg:$0x0] =	wrdreg $0x0  }
0xaa: {  	s6 =	sshll.u32 s28, $0x1;
	[dreg:$0x2] =	wrdreg s5  }
0xab: {  	[dreg:$0x3] =	wrdreg s6  }
0xac: {  	[dreg:$0x4] =	wrdreg $0xC0  }
0xad: {  	_ =	task [dreg:s9], $0x5FFFF  }
0xae: {  	[dreg:$0x1] =	wrdreg $0xFFFFFFFF  }
0xaf: {  	[dreg:$0x0] =	wrdreg $0x60  }
0xb0: {  	[dreg:$0x2] =	wrdreg s2  }
0xb1: {  	[dreg:$0x3] =	wrdreg s19  }
0xb2: {  	[dreg:$0x4] =	wrdreg s4  }
0xb3: {  	[dreg:$0x5] =	wrdreg $0x9  }
0xb4: {  	_ =	task.clear_ibuf [dreg:s9], $0x6FFFF;
	_ =	strace $0x90000046  }
0xb5: {  	s29 =	simm.s32 $0x9;
	_ =	strace $0x80000048  }
0xb6: {  	_ =	swait.ge [sflag:s29], $0x1  }
0xb7: {  	[sflag:s29] =	ssyncadd.s32 $0xFFFFFFFF  }
0xb8: {  	_ =	strace $0x90000048  }
0xb9: {  	_ =	sfence  }
0xba: {  	s30 =	sld [smem:$0x0];
	_ =	sdelay $0x2  }
0xbb: {  	s31 =	sshll.u32 s1, $0xD;
	s1 =	sshrl.u32 s1, $0x2  }
0xbc: {  	s3 =	sand.u32 $0x4000, s31;
	s1 =	sadd.s32 s1, s30  }
0xbd: {  	s0 =	sor.u32 s3, s0;
	s1 =	sshll.u32 s1, $0x11  }
0xbe: {  	s0 =	sor.u32 s1, s0  }
0xbf: {  	s0 =	sadd.s32 $0x8F2B, s0  }
0xc0: {  	[sflag:s0] =	ssyncadd.remote.s32 $0x1  }
0xc1: {  	_ =	sfence.sel $0xFFFF  }
0xc2: {  	[dreg:$0x0] =	wrdreg $0xFFFFFFFF;
	(pc) =	sbr.abs _section_cstart, $3  }
0xc3: {  	[dreg:$0x1] =	wrdreg $0xFFFFFFFF  }
0xc4: {  	_ =	task.clear_ibuf [dreg:s9], $0x2FFFF;
	_ =	strace $0x9FFFFFFF  }
0xc5: {  	(tm) =	ssettm $0x7FFFFFFF  }
tec
execute0_lowered:
.L_overlay_start_1:
0x0: {  	(tag) =	ssettag $0x1  }
0x1: {  	s0 =	rddreg [dreg:$0x0]  }
0x2: {  	s1 =	rddreg [dreg:$0x1]  }
0x3: {  	s2 =	rddreg [dreg:$0x2]  }
0x4: {  	s3 =	simm.s32 $0x0;
	s4 =	srdreg.scid;
	s11 =	stileid.u32  }
0x5: {  	s18 =	simm.s32 $0xA;
	s19 =	simm.s32 $0xB;
	s20 =	simm.s32 $0x0  }
0x6: {  	[smem:$0x7FF] =	sst s3;
	s4 =	sand.u32 $0x1, s4;
	s5 =	sshll.u32 s11, $0x1  }
0x7: {  	s9 =	sadd.s32 $0x500, s1;
	s10 =	sadd.s32 $0x600, s1;
	s28 =	sshll.u32 s11, $0x11  }
0x8: {  	s11 =	sadd.s32 $0x700, s1;
	_ =	strace $0x80000047;
	s6 =	sor.u32 s4, s5  }
0x9: {  	s7 =	ssub.s32 $0x2, s4;
	s5 =	sand.u32 $0x10, s5;
	s30 =	sshll.u32 s4, $0x10  }
0xa: {  	s6 =	sshll.u32 s6, $0x6;
	s8 =	sshrl.u32 s7, $0x1;
	s0 =	sadd.s32 s0, s5  }
0xb: {  	s5 =	sadd.s32 $0x100, s1;
	s6 =	sand.u32 $0x3C0, s6;
	s12 =	ssub.s32 s7, s8  }
0xc: {  	v0 =	vlaneseq.u32;
	s7 =	sadd.s32 $0x300, s1;
	s8 =	sadd.s32 $0x400, s1;
	s0 =	sadd.s32 s6, s0  }
0xd: {  	v1 =	vshrl.u32 v0, $0x3;
	s31 =	smax.u32 s12, $0x1;
	[dreg:$0x4] =	wrdreg s0;
	s0 =	sadd.s32 s28, s2  }
0xe: {  	vm0 =	vmmov $0xffff;
	v0 =	vand.u32 $0x7, v0;
	v1 =	vmul.u32 $0x8, v1;
	s6 =	sadd.s32 $0x200, s1;
	[dreg:$0x5] =	wrdreg s31;
	s29 =	sadd.s32 s30, s0  }
.LBB2_1:
0xf: {  	s0 =	rddreg [dreg:$0x4]  }
0x10: {  	s2 =	simm.s32 $0x80;
	s4 =	simm.s32 $0x100;
	s16 =	simm.s32 $0xF  }
0x11: {  	[tilespmem:s3], [sflag:$0xF] =	stream.strided.gather [hbm4b:s0+s2], $0x100, s4, s2, $0x38;
	[tilespmem:$0x1C100] =	vst v63  }
0x12: {  	_ =	swait.ge [sflag:s16], $0x100  }
0x13: {  	[sflag:s16] =	ssyncset.done $0x0  }
0x14: {  	[sflag:s16] =	ssyncadd.s32 $0xFFFFFF00  }
0x15: {  	v2 =	vld.msk [tilespmem:$0x0], $0xff;
	_ =	sdelay $0x4  }
0x16: {  	v3 =	vshll.u32 v2, $0x4  }
0x17: {  	v2 =	vand.u32 $0x7, v2;
	v3 =	vand.u32 $0xFFFFFF80, v3  }
0x18: {  	v2 =	vor.u32 v2, v3  }
0x19: {  	v2 =	vperm.xlane v2, v0;
	_ =	sdelay $0x1  }
0x1a: {  	v2 =	vadd.s32 v1, v2;
	_ =	sdelay $0x4  }
0x1b: {  	[tilespmem:s4], [sflag:$0x1] =	stream.indirect_vreg.gather [hbm4b:s1+s3], $0x80, v2, vm0, $0xb8;
	[tilespmem:$0x1C100] =	vst v63  }
0x1c: {  	s17 =	simm.s32 $0x900  }
0x1d: {  	[tilespmem:s17], [sflag:$0x1] =	stream.indirect_vreg.gather [hbm4b:s5+s3], $0x80, v2, vm0, $0xb8;
	[tilespmem:$0x1C100] =	vst v63  }
0x1e: {  	s21 =	simm.s32 $0x1100  }
0x1f: {  	[tilespmem:s21], [sflag:$0x1] =	stream.indirect_vreg.gather [hbm4b:s6+s3], $0x80, v2, vm0, $0xb8;
	[tilespmem:$0x1C100] =	vst v63  }
0x20: {  	s22 =	simm.s32 $0x1900  }
0x21: {  	[tilespmem:s22], [sflag:$0x1] =	stream.indirect_vreg.gather [hbm4b:s7+s3], $0x80, v2, vm0, $0xb8;
	[tilespmem:$0x1C100] =	vst v63  }
0x22: {  	s23 =	simm.s32 $0x2100  }
0x23: {  	[tilespmem:s23], [sflag:$0x1] =	stream.indirect_vreg.gather [hbm4b:s8+s3], $0x80, v2, vm0, $0xb8;
	[tilespmem:$0x1C100] =	vst v63  }
0x24: {  	s24 =	simm.s32 $0x2900  }
0x25: {  	[tilespmem:s24], [sflag:$0x1] =	stream.indirect_vreg.gather [hbm4b:s9+s3], $0x80, v2, vm0, $0xb8;
	[tilespmem:$0x1C100] =	vst v63  }
0x26: {  	s25 =	simm.s32 $0x3100  }
0x27: {  	[tilespmem:s25], [sflag:$0x1] =	stream.indirect_vreg.gather [hbm4b:s10+s3], $0x80, v2, vm0, $0xb8;
	[tilespmem:$0x1C100] =	vst v63  }
0x28: {  	s26 =	simm.s32 $0x3900  }
0x29: {  	[tilespmem:s26], [sflag:$0x1] =	stream.indirect_vreg.gather [hbm4b:s11+s3], $0x80, v2, vm0, $0xb8;
	[tilespmem:$0x1C100] =	vst v63  }
0x2a: {  	v2 =	vld.msk [tilespmem:$0x8], $0xff;
	_ =	sdelay $0x4  }
0x2b: {  	v3 =	vshll.u32 v2, $0x4  }
0x2c: {  	v2 =	vand.u32 $0x7, v2;
	v3 =	vand.u32 $0xFFFFFF80, v3  }
0x2d: {  	v2 =	vor.u32 v2, v3  }
0x2e: {  	v2 =	vperm.xlane v2, v0;
	_ =	sdelay $0x1  }
0x2f: {  	v2 =	vadd.s32 v1, v2;
	_ =	sdelay $0x3  }
0x30: {  	s2 =	simm.s32 $0x4100  }
0x31: {  	[tilespmem:s2], [sflag:$0x2] =	stream.indirect_vreg.gather [hbm4b:s1+s3], $0x80, v2, vm0, $0xb8;
	[tilespmem:$0x1C100] =	vst v63  }
0x32: {  	s4 =	simm.s32 $0x4900  }
0x33: {  	[tilespmem:s4], [sflag:$0x2] =	stream.indirect_vreg.gather [hbm4b:s5+s3], $0x80, v2, vm0, $0xb8;
	[tilespmem:$0x1C100] =	vst v63  }
0x34: {  	s12 =	simm.s32 $0x5100  }
0x35: {  	[tilespmem:s12], [sflag:$0x2] =	stream.indirect_vreg.gather [hbm4b:s6+s3], $0x80, v2, vm0, $0xb8;
	[tilespmem:$0x1C100] =	vst v63  }
0x36: {  	s13 =	simm.s32 $0x5900  }
0x37: {  	[tilespmem:s13], [sflag:$0x2] =	stream.indirect_vreg.gather [hbm4b:s7+s3], $0x80, v2, vm0, $0xb8;
	[tilespmem:$0x1C100] =	vst v63  }
0x38: {  	s14 =	simm.s32 $0x6100  }
0x39: {  	[tilespmem:s14], [sflag:$0x2] =	stream.indirect_vreg.gather [hbm4b:s8+s3], $0x80, v2, vm0, $0xb8;
	[tilespmem:$0x1C100] =	vst v63  }
0x3a: {  	s15 =	simm.s32 $0x6900  }
0x3b: {  	[tilespmem:s15], [sflag:$0x2] =	stream.indirect_vreg.gather [hbm4b:s9+s3], $0x80, v2, vm0, $0xb8;
	[tilespmem:$0x1C100] =	vst v63  }
0x3c: {  	s16 =	simm.s32 $0x7100  }
0x3d: {  	[tilespmem:s16], [sflag:$0x2] =	stream.indirect_vreg.gather [hbm4b:s10+s3], $0x80, v2, vm0, $0xb8;
	[tilespmem:$0x1C100] =	vst v63  }
0x3e: {  	s17 =	simm.s32 $0x7900  }
0x3f: {  	[tilespmem:s17], [sflag:$0x2] =	stream.indirect_vreg.gather [hbm4b:s11+s3], $0x80, v2, vm0, $0xb8;
	[tilespmem:$0x1C100] =	vst v63  }
0x40: {  	v2 =	vld.msk [tilespmem:$0x10], $0xff;
	_ =	sdelay $0x4  }
0x41: {  	v3 =	vshll.u32 v2, $0x4  }
0x42: {  	v2 =	vand.u32 $0x7, v2;
	v3 =	vand.u32 $0xFFFFFF80, v3  }
0x43: {  	v2 =	vor.u32 v2, v3  }
0x44: {  	v2 =	vperm.xlane v2, v0;
	_ =	sdelay $0x1  }
0x45: {  	v2 =	vadd.s32 v1, v2;
	_ =	sdelay $0x3  }
0x46: {  	s21 =	simm.s32 $0x8100  }
0x47: {  	[tilespmem:s21], [sflag:$0x3] =	stream.indirect_vreg.gather [hbm4b:s1+s3], $0x80, v2, vm0, $0xb8;
	[tilespmem:$0x1C100] =	vst v63  }
0x48: {  	s22 =	simm.s32 $0x8900  }
0x49: {  	[tilespmem:s22], [sflag:$0x3] =	stream.indirect_vreg.gather [hbm4b:s5+s3], $0x80, v2, vm0, $0xb8;
	[tilespmem:$0x1C100] =	vst v63  }
0x4a: {  	s23 =	simm.s32 $0x9100  }
0x4b: {  	[tilespmem:s23], [sflag:$0x3] =	stream.indirect_vreg.gather [hbm4b:s6+s3], $0x80, v2, vm0, $0xb8;
	[tilespmem:$0x1C100] =	vst v63  }
0x4c: {  	s24 =	simm.s32 $0x9900  }
0x4d: {  	[tilespmem:s24], [sflag:$0x3] =	stream.indirect_vreg.gather [hbm4b:s7+s3], $0x80, v2, vm0, $0xb8;
	[tilespmem:$0x1C100] =	vst v63  }
0x4e: {  	s25 =	simm.s32 $0xA100  }
0x4f: {  	[tilespmem:s25], [sflag:$0x3] =	stream.indirect_vreg.gather [hbm4b:s8+s3], $0x80, v2, vm0, $0xb8;
	[tilespmem:$0x1C100] =	vst v63  }
0x50: {  	s26 =	simm.s32 $0xA900  }
0x51: {  	[tilespmem:s26], [sflag:$0x3] =	stream.indirect_vreg.gather [hbm4b:s9+s3], $0x80, v2, vm0, $0xb8;
	[tilespmem:$0x1C100] =	vst v63  }
0x52: {  	s2 =	simm.s32 $0xB100  }
0x53: {  	[tilespmem:s2], [sflag:$0x3] =	stream.indirect_vreg.gather [hbm4b:s10+s3], $0x80, v2, vm0, $0xb8;
	[tilespmem:$0x1C100] =	vst v63  }
0x54: {  	s4 =	simm.s32 $0xB900  }
0x55: {  	[tilespmem:s4], [sflag:$0x3] =	stream.indirect_vreg.gather [hbm4b:s11+s3], $0x80, v2, vm0, $0xb8;
	[tilespmem:$0x1C100] =	vst v63  }
0x56: {  	v2 =	vld.msk [tilespmem:$0x18], $0xff;
	_ =	sdelay $0x4  }
0x57: {  	v3 =	vshll.u32 v2, $0x4  }
0x58: {  	v2 =	vand.u32 $0x7, v2;
	v3 =	vand.u32 $0xFFFFFF80, v3  }
0x59: {  	v2 =	vor.u32 v2, v3  }
0x5a: {  	v2 =	vperm.xlane v2, v0;
	_ =	sdelay $0x1  }
0x5b: {  	v2 =	vadd.s32 v1, v2;
	_ =	sdelay $0x3  }
0x5c: {  	s12 =	simm.s32 $0xC100  }
0x5d: {  	[tilespmem:s12], [sflag:$0x4] =	stream.indirect_vreg.gather [hbm4b:s1+s3], $0x80, v2, vm0, $0xb8;
	[tilespmem:$0x1C100] =	vst v63  }
0x5e: {  	s13 =	simm.s32 $0xC900  }
0x5f: {  	[tilespmem:s13], [sflag:$0x4] =	stream.indirect_vreg.gather [hbm4b:s5+s3], $0x80, v2, vm0, $0xb8;
	[tilespmem:$0x1C100] =	vst v63  }
0x60: {  	s14 =	simm.s32 $0xD100  }
0x61: {  	[tilespmem:s14], [sflag:$0x4] =	stream.indirect_vreg.gather [hbm4b:s6+s3], $0x80, v2, vm0, $0xb8;
	[tilespmem:$0x1C100] =	vst v63  }
0x62: {  	s15 =	simm.s32 $0xD900  }
0x63: {  	[tilespmem:s15], [sflag:$0x4] =	stream.indirect_vreg.gather [hbm4b:s7+s3], $0x80, v2, vm0, $0xb8;
	[tilespmem:$0x1C100] =	vst v63  }
0x64: {  	s16 =	simm.s32 $0xE100  }
0x65: {  	[tilespmem:s16], [sflag:$0x4] =	stream.indirect_vreg.gather [hbm4b:s8+s3], $0x80, v2, vm0, $0xb8;
	[tilespmem:$0x1C100] =	vst v63  }
0x66: {  	s17 =	simm.s32 $0xE900  }
0x67: {  	[tilespmem:s17], [sflag:$0x4] =	stream.indirect_vreg.gather [hbm4b:s9+s3], $0x80, v2, vm0, $0xb8;
	[tilespmem:$0x1C100] =	vst v63  }
0x68: {  	s21 =	simm.s32 $0xF100  }
0x69: {  	[tilespmem:s21], [sflag:$0x4] =	stream.indirect_vreg.gather [hbm4b:s10+s3], $0x80, v2, vm0, $0xb8;
	[tilespmem:$0x1C100] =	vst v63  }
0x6a: {  	s22 =	simm.s32 $0xF900  }
0x6b: {  	[tilespmem:s22], [sflag:$0x4] =	stream.indirect_vreg.gather [hbm4b:s11+s3], $0x80, v2, vm0, $0xb8;
	[tilespmem:$0x1C100] =	vst v63  }
0x6c: {  	v2 =	vld.msk [tilespmem:$0x20], $0xff;
	_ =	sdelay $0x4  }
0x6d: {  	v3 =	vshll.u32 v2, $0x4  }
0x6e: {  	v2 =	vand.u32 $0x7, v2;
	v3 =	vand.u32 $0xFFFFFF80, v3  }
0x6f: {  	v2 =	vor.u32 v2, v3  }
0x70: {  	v2 =	vperm.xlane v2, v0;
	_ =	sdelay $0x1  }
0x71: {  	v2 =	vadd.s32 v1, v2;
	_ =	sdelay $0x3  }
0x72: {  	s23 =	simm.s32 $0x10100  }
0x73: {  	[tilespmem:s23], [sflag:$0x5] =	stream.indirect_vreg.gather [hbm4b:s1+s3], $0x80, v2, vm0, $0xb8;
	[tilespmem:$0x1C100] =	vst v63  }
0x74: {  	s24 =	simm.s32 $0x10900  }
0x75: {  	[tilespmem:s24], [sflag:$0x5] =	stream.indirect_vreg.gather [hbm4b:s5+s3], $0x80, v2, vm0, $0xb8;
	[tilespmem:$0x1C100] =	vst v63  }
0x76: {  	s25 =	simm.s32 $0x11100  }
0x77: {  	[tilespmem:s25], [sflag:$0x5] =	stream.indirect_vreg.gather [hbm4b:s6+s3], $0x80, v2, vm0, $0xb8;
	[tilespmem:$0x1C100] =	vst v63  }
0x78: {  	s26 =	simm.s32 $0x11900  }
0x79: {  	[tilespmem:s26], [sflag:$0x5] =	stream.indirect_vreg.gather [hbm4b:s7+s3], $0x80, v2, vm0, $0xb8;
	[tilespmem:$0x1C100] =	vst v63  }
0x7a: {  	s2 =	simm.s32 $0x12100  }
0x7b: {  	[tilespmem:s2], [sflag:$0x5] =	stream.indirect_vreg.gather [hbm4b:s8+s3], $0x80, v2, vm0, $0xb8;
	[tilespmem:$0x1C100] =	vst v63  }
0x7c: {  	s4 =	simm.s32 $0x12900  }
0x7d: {  	[tilespmem:s4], [sflag:$0x5] =	stream.indirect_vreg.gather [hbm4b:s9+s3], $0x80, v2, vm0, $0xb8;
	[tilespmem:$0x1C100] =	vst v63  }
0x7e: {  	s12 =	simm.s32 $0x13100  }
0x7f: {  	[tilespmem:s12], [sflag:$0x5] =	stream.indirect_vreg.gather [hbm4b:s10+s3], $0x80, v2, vm0, $0xb8;
	[tilespmem:$0x1C100] =	vst v63  }
0x80: {  	s13 =	simm.s32 $0x13900  }
0x81: {  	[tilespmem:s13], [sflag:$0x5] =	stream.indirect_vreg.gather [hbm4b:s11+s3], $0x80, v2, vm0, $0xb8;
	[tilespmem:$0x1C100] =	vst v63  }
0x82: {  	v2 =	vld.msk [tilespmem:$0x28], $0xff;
	_ =	sdelay $0x4  }
0x83: {  	v3 =	vshll.u32 v2, $0x4  }
0x84: {  	v2 =	vand.u32 $0x7, v2;
	v3 =	vand.u32 $0xFFFFFF80, v3  }
0x85: {  	v2 =	vor.u32 v2, v3  }
0x86: {  	s24 =	smul.u32 $0x25, s3;
	v2 =	vperm.xlane v2, v0;
	_ =	sdelay $0x1  }
0x87: {  	s26 =	sadd.s32 $0xDE, s24;
	v2 =	vadd.s32 v1, v2  }
0x88: {  	s4 =	sshrl.u32 s26, $0x8  }
0x89: {  	s12 =	ssub.s32 $0x6, s4  }
0x8a: {  	s12 =	sand.u32 $0xFE, s12  }
0x8b: {  	s14 =	simm.s32 $0x14100;
	s12 =	sshrl.u32 s12, $0x1  }
0x8c: {  	[tilespmem:s14], [sflag:$0x6] =	stream.indirect_vreg.gather [hbm4b:s1+s3], $0x80, v2, vm0, $0xb8;
	[tilespmem:$0x1C100] =	vst v63  }
0x8d: {  	s15 =	simm.s32 $0x14900;
	s4 =	sadd.s32 s4, s12  }
0x8e: {  	[tilespmem:s15], [sflag:$0x6] =	stream.indirect_vreg.gather [hbm4b:s5+s3], $0x80, v2, vm0, $0xb8;
	[tilespmem:$0x1C100] =	vst v63  }
0x8f: {  	s16 =	simm.s32 $0x15100;
	s4 =	sand.u32 $0xFC, s4  }
0x90: {  	[tilespmem:s16], [sflag:$0x6] =	stream.indirect_vreg.gather [hbm4b:s6+s3], $0x80, v2, vm0, $0xb8;
	[tilespmem:$0x1C100] =	vst v63  }
0x91: {  	s17 =	simm.s32 $0x15900;
	s4 =	sshrl.u32 s4, $0x2  }
0x92: {  	[tilespmem:s17], [sflag:$0x6] =	stream.indirect_vreg.gather [hbm4b:s7+s3], $0x80, v2, vm0, $0xb8;
	[tilespmem:$0x1C100] =	vst v63  }
0x93: {  	p1 =	por $0x0, $0x0;
	s21 =	simm.s32 $0x16100;
	s4 =	smul.u32 $0x7, s4  }
0x94: {  	[tilespmem:s21], [sflag:$0x6] =	stream.indirect_vreg.gather [hbm4b:s8+s3], $0x80, v2, vm0, $0xb8;
	[tilespmem:$0x1C100] =	vst v63  }
0x95: {  	p0 =	por @!p1 $0x1, $0x1;
	s22 =	simm.s32 $0x16900;
	s4 =	ssub.s32 $0x6, s4  }
0x96: {  	[tilespmem:s22], [sflag:$0x6] =	stream.indirect_vreg.gather [hbm4b:s9+s3], $0x80, v2, vm0, $0xb8;
	[tilespmem:$0x1C100] =	vst v63  }
0x97: {  	p0 =	por p0, p1;
	s23 =	simm.s32 $0x17100;
	s12 =	sand.u32 $0xFF, s4  }
0x98: {  	[tilespmem:s23], [sflag:$0x6] =	stream.indirect_vreg.gather [hbm4b:s10+s3], $0x80, v2, vm0, $0xb8;
	[tilespmem:$0x1C100] =	vst v63  }
0x99: {  	s25 =	simm.s32 $0x17900;
	s4 =	sadd.s32 @!p0 $0x8, s12  }
0x9a: {  	[tilespmem:s25], [sflag:$0x6] =	stream.indirect_vreg.gather [hbm4b:s11+s3], $0x80, v2, vm0, $0xb8;
	[tilespmem:$0x1C100] =	vst v63  }
0x9b: {  	_ =	swait.ge @!p0 [sflag:s4], $0x4000  }
0x9c: {  	[sflag:s4] =	ssyncset.done @!p0 $0x0  }
0x9d: {  	s13 =	simm.s32 $0x30;
	[sflag:s4] =	ssyncadd.s32 @!p0 $0xFFFFC000;
	p0 =	por p1, p1  }
0x9e: {  	v2 =	vld.msk @!p0 [tilespmem:s13+$0x0], $0xff;
	_ =	sdelay $0x4  }
0x9f: {  	s0 =	sshrl.u32 s24, $0x8;
	v3 =	vshll.u32 @!p0 v2, $0x4  }
0xa0: {  	s28 =	simm.s32 $0x2;
	v4 =	vlaneseq.u32 @!p1;
	s2 =	ssub.s32 $0x0, s0;
	s21 =	sadd.s32 $0x800, s29;
	v2 =	vand.u32 @!p0 $0x7, v2;
	v3 =	vand.u32 @!p0 $0xFFFFFF80, v3  }
0xa1: {  	v5 =	vshrl.u32 @!p1 v4, $0x3;
	s22 =	simm.s32 $0x1;
	s25 =	sshll.u32 @!p1 s12, $0xE;
	s4 =	sand.u32 $0xFE, s2;
	v2 =	vor.u32 @!p0 v2, v3;
	v3 =	vand.u32 @!p0 $0x7, v4  }
0xa2: {  	s30 =	sor.u32 @!p1 $0x1100, s25;
	s4 =	sshrl.u32 s4, $0x1;
	s13 =	smul.u32 $0x25, s22;
	v4 =	vmul.u32 @!p1 $0x8, v5;
	v2 =	vperm.xlane @!p0 v2, v3  }
0xa3: {  	s23 =	sor.u32 @!p0 $0x100, s25;
	s0 =	sadd.s32 s0, s4;
	s4 =	simm.s32 @!p0 $0x0  }
0xa4: {  	s0 =	sand.u32 $0xFC, s0;
	s14 =	sshrl.u32 s13, $0x8;
	s16 =	sadd.s32 $0xDE, s13;
	v4 =	vadd.s32 @!p0 v4, v2  }
0xa5: {  	s0 =	sshrl.u32 s0, $0x2;
	s15 =	ssub.s32 $0x1, s14;
	s31 =	sshrl.u32 s16, $0x8  }
0xa6: {  	s0 =	smul.u32 $0x7, s0;
	s13 =	sand.u32 $0xFE, s15;
	s15 =	sadd.s32 @!p0 $0x1, s12  }
0xa7: {  	s12 =	sor.u32 @!p0 $0x900, s25;
	s17 =	ssub.s32 $0x7, s31;
	s13 =	sshrl.u32 s13, $0x1  }
0xa8: {  	vm1 =	vmmov @!p0 $0xffff;
	s0 =	ssub.s32 $0x0, s0;
	s16 =	sadd.s32 s14, s13;
	p1 =	por $0x0, $0x0  }
0xa9: {  	[tilespmem:s23], [sflag:s15] =	stream.indirect_vreg.gather @!p0 [hbm4b:s1+s4], $0x80, v4, vm1, $0xb8;
	[tilespmem:$0x1C100] =	vst v63  }
0xaa: {  	s13 =	smov.u32 s29;
	s24 =	sand.u32 $0xFF, s0;
	s0 =	sand.u32 $0xFE, s17;
	v2 =	vlaneseq.u32 @!p1  }
0xab: {  	v3 =	vshrl.u32 @!p1 v2, $0x3;
	[tilespmem:s12], [sflag:s15] =	stream.indirect_vreg.gather @!p0 [hbm4b:s5+s4], $0x80, v4, vm1, $0xb8;
	[tilespmem:$0x1C100] =	vst v63  }
0xac: {  	s26 =	sshll.u32 s24, $0xE;
	v3 =	vmul.u32 @!p1 $0x8, v3;
	s23 =	simm.s32 $0x38;
	s12 =	simm.s32 $0x7  }
.LBB2_2:
0xad: {  	s2 =	sand.u32 $0xFC, s16  }
0xae: {  	s0 =	sshrl.u32 s0, $0x1;
	s14 =	sadd.s32 $0x1, s24;
	s17 =	smov.u32 s28  }
0xaf: {  	[tilespmem:s30], [sflag:s15] =	stream.indirect_vreg.gather @!p0 [hbm4b:s6+s4], $0x80, v4, vm1, $0xb8;
	[tilespmem:$0x1C100] =	vst v63  }
0xb0: {  	s16 =	sor.u32 @!p0 $0x1900, s25;
	s2 =	sshrl.u32 s2, $0x2;
	s0 =	sadd.s32 s31, s0  }
0xb1: {  	[tilespmem:s16], [sflag:s15] =	stream.indirect_vreg.gather @!p0 [hbm4b:s7+s4], $0x80, v4, vm1, $0xb8;
	[tilespmem:$0x1C100] =	vst v63  }
0xb2: {  	s2 =	smul.u32 $0x7, s2;
	s0 =	sand.u32 $0xFC, s0;
	s16 =	sor.u32 @!p0 $0x2100, s25  }
0xb3: {  	[tilespmem:s16], [sflag:s15] =	stream.indirect_vreg.gather @!p0 [hbm4b:s8+s4], $0x80, v4, vm1, $0xb8;
	[tilespmem:$0x1C100] =	vst v63  }
0xb4: {  	s0 =	sshrl.u32 s0, $0x2;
	s2 =	ssub.s32 s22, s2;
	s16 =	sor.u32 @!p0 $0x2900, s25  }
0xb5: {  	[tilespmem:s16], [sflag:s15] =	stream.indirect_vreg.gather @!p0 [hbm4b:s9+s4], $0x80, v4, vm1, $0xb8;
	[tilespmem:$0x1C100] =	vst v63  }
0xb6: {  	s0 =	smul.u32 $0x7, s0;
	s2 =	sand.u32 $0xFF, s2;
	s16 =	sor.u32 @!p0 $0x3100, s25  }
0xb7: {  	[tilespmem:s16], [sflag:s15] =	stream.indirect_vreg.gather @!p0 [hbm4b:s10+s4], $0x80, v4, vm1, $0xb8;
	[tilespmem:$0x1C100] =	vst v63  }
0xb8: {  	s0 =	ssub.s32 s12, s0;
	s12 =	sshll.u32 s2, $0xE;
	s25 =	sor.u32 @!p0 $0x3900, s25  }
0xb9: {  	s16 =	sand.u32 $0xFF, s0;
	s0 =	sadd.s32 $0x8, s24;
	s24 =	sor.u32 $0x100, s26  }
0xba: {  	[tilespmem:s25], [sflag:s15] =	stream.indirect_vreg.gather @!p0 [hbm4b:s11+s4], $0x80, v4, vm1, $0xb8;
	[tilespmem:$0x1C100] =	vst v63  }
0xbb: {  	p0 =	seq.s32 @!p1 s22, $0x0;
	s25 =	sshll.u32 @!p1 s16, $0xE;
	_ =	swait.ge [sflag:s14], $0x4000  }
0xbc: {  	p0 =	por p0, p1;
	s30 =	sor.u32 @!p1 $0x1100, s25;
	[sflag:s14] =	ssyncset.done $0x0  }
0xbd: {  	s28 =	sadd.s32 $0x1, s28;
	s4 =	sadd.s32 @!p0 $0x8, s16;
	[sflag:s14] =	ssyncadd.s32 $0xFFFFC000  }
0xbe: {  	[hbm4b:s13+s3] =	stream.linear.scatter [tilespmem:s24], [sflag:s0], $0x4000, $0x38;
	[tilespmem:$0x1C100] =	vst v63  }
0xbf: {  	p2 =	sne.s32 s28, $0x20;
	s24 =	smov.u32 s2;
	_ =	swait.ge @!p0 [sflag:s4], $0x4000  }
0xc0: {  	s26 =	smov.u32 s12;
	s22 =	smov.u32 s17;
	[sflag:s4] =	ssyncset.done @!p0 $0x0  }
0xc1: {  	s13 =	smov.u32 s21;
	[sflag:s4] =	ssyncadd.s32 @!p0 $0xFFFFC000;
	p0 =	por p1, p1  }
0xc2: {  	v4 =	vld.msk @!p0 [tilespmem:s23+$0x0], $0xff;
	_ =	sdelay $0x4  }
0xc3: {  	v5 =	vshll.u32 @!p0 v4, $0x4  }
0xc4: {  	v4 =	vand.u32 @!p0 $0x7, v4;
	v5 =	vand.u32 @!p0 $0xFFFFFF80, v5  }
0xc5: {  	v2 =	vand.u32 @!p0 $0x7, v2;
	v4 =	vor.u32 @!p0 v4, v5  }
0xc6: {  	s0 =	smul.u32 $0x25, s22;
	v2 =	vperm.xlane @!p0 v4, v2;
	_ =	sdelay $0x1  }
0xc7: {  	s21 =	sadd.s32 $0x800, s21;
	s2 =	sshrl.u32 s0, $0x8;
	s0 =	sadd.s32 $0xDE, s0;
	v4 =	vadd.s32 @!p0 v3, v2  }
0xc8: {  	s4 =	ssub.s32 s22, s2;
	s31 =	sshrl.u32 s0, $0x8;
	s23 =	sadd.s32 $0x8, s23  }
0xc9: {  	p1 =	sgt.u32 s22, $0x19;
	s12 =	sand.u32 $0xFE, s4;
	s4 =	simm.s32 @!p0 $0x0  }
.Ltmp0:
0xca: {  	s0 =	sshrl.u32 s12, $0x1;
	s12 =	sadd.s32 $0x6, s22;
	(pc) =	sbr.rel @p2 .LBB2_2-.Ltmp0, $4  }
0xcb: {  	s17 =	sor.u32 @!p0 $0x100, s25;
	s15 =	sadd.s32 @!p0 $0x1, s16;
	vm1 =	vmmov @!p0 $0xffff;
	s14 =	ssub.s32 s12, s31;
	v2 =	vlaneseq.u32 @!p1  }
0xcc: {  	v3 =	vshrl.u32 @!p1 v2, $0x3;
	[tilespmem:s17], [sflag:s15] =	stream.indirect_vreg.gather @!p0 [hbm4b:s1+s4], $0x80, v4, vm1, $0xb8;
	[tilespmem:$0x1C100] =	vst v63  }
0xcd: {  	s16 =	sadd.s32 s2, s0;
	s2 =	sor.u32 @!p0 $0x900, s25;
	s0 =	sand.u32 $0xFE, s14;
	v3 =	vmul.u32 @!p1 $0x8, v3  }
0xce: {  	[tilespmem:s2], [sflag:s15] =	stream.indirect_vreg.gather @!p0 [hbm4b:s5+s4], $0x80, v4, vm1, $0xb8;
	[tilespmem:$0x1C100] =	vst v63  }
0xcf: {  	_ =	sdelay $0x3  }
0xd0: {  	[tilespmem:s30], [sflag:s15] =	stream.indirect_vreg.gather @!p0 [hbm4b:s6+s4], $0x80, v4, vm1, $0xb8;
	[tilespmem:$0x1C100] =	vst v63  }
0xd1: {  	s2 =	sor.u32 @!p0 $0x1900, s25;
	s0 =	sshrl.u32 s0, $0x1  }
0xd2: {  	[tilespmem:s2], [sflag:s15] =	stream.indirect_vreg.gather @!p0 [hbm4b:s7+s4], $0x80, v4, vm1, $0xb8;
	[tilespmem:$0x1C100] =	vst v63  }
0xd3: {  	s0 =	sadd.s32 s31, s0;
	s2 =	sor.u32 @!p0 $0x2100, s25  }
0xd4: {  	[tilespmem:s2], [sflag:s15] =	stream.indirect_vreg.gather @!p0 [hbm4b:s8+s4], $0x80, v4, vm1, $0xb8;
	[tilespmem:$0x1C100] =	vst v63  }
0xd5: {  	s0 =	sand.u32 $0xFC, s0;
	s2 =	sor.u32 @!p0 $0x2900, s25  }
0xd6: {  	[tilespmem:s2], [sflag:s15] =	stream.indirect_vreg.gather @!p0 [hbm4b:s9+s4], $0x80, v4, vm1, $0xb8;
	[tilespmem:$0x1C100] =	vst v63  }
0xd7: {  	s30 =	sadd.s32 $0x1, s24;
	s0 =	sshrl.u32 s0, $0x2;
	s2 =	sor.u32 @!p0 $0x3100, s25  }
0xd8: {  	[tilespmem:s2], [sflag:s15] =	stream.indirect_vreg.gather @!p0 [hbm4b:s10+s4], $0x80, v4, vm1, $0xb8;
	[tilespmem:$0x1C100] =	vst v63  }
0xd9: {  	s14 =	sor.u32 $0x100, s26;
	s0 =	smul.u32 $0x7, s0;
	s2 =	sor.u32 @!p0 $0x3900, s25  }
0xda: {  	[tilespmem:s2], [sflag:s15] =	stream.indirect_vreg.gather @!p0 [hbm4b:s11+s4], $0x80, v4, vm1, $0xb8;
	[tilespmem:$0x1C100] =	vst v63  }
0xdb: {  	s0 =	ssub.s32 s12, s0;
	p0 =	seq.s32 @!p1 s22, $0x0;
	_ =	swait.ge [sflag:s30], $0x4000  }
0xdc: {  	s0 =	sand.u32 $0xFF, s0;
	p0 =	por p0, p1;
	[sflag:s30] =	ssyncset.done $0x0  }
0xdd: {  	s4 =	sadd.s32 $0x8, s24;
	s2 =	sadd.s32 @!p0 $0x8, s0;
	[sflag:s30] =	ssyncadd.s32 $0xFFFFC000  }
0xde: {  	[hbm4b:s13+s3] =	stream.linear.scatter [tilespmem:s14], [sflag:s4], $0x4000, $0x38;
	[tilespmem:$0x1C100] =	vst v63  }
0xdf: {  	_ =	swait.ge @!p0 [sflag:s2], $0x4000  }
0xe0: {  	[sflag:s2] =	ssyncset.done @!p0 $0x0  }
0xe1: {  	[sflag:s2] =	ssyncadd.s32 @!p0 $0xFFFFC000;
	p0 =	por p1, p1  }
0xe2: {  	v4 =	vld.msk @!p0 [tilespmem:s23+$0x0], $0xff;
	_ =	sdelay $0x4  }
0xe3: {  	v5 =	vshll.u32 @!p0 v4, $0x4  }
0xe4: {  	v4 =	vand.u32 @!p0 $0x7, v4;
	v5 =	vand.u32 @!p0 $0xFFFFFF80, v5  }
0xe5: {  	v2 =	vand.u32 @!p0 $0x7, v2;
	v4 =	vor.u32 @!p0 v4, v5  }
0xe6: {  	v2 =	vperm.xlane @!p0 v4, v2;
	_ =	sdelay $0x1  }
0xe7: {  	v2 =	vadd.s32 @!p0 v3, v2;
	_ =	sdelay $0x2  }
0xe8: {  	s2 =	sshll.u32 @!p1 s0, $0xE  }
0xe9: {  	s4 =	simm.s32 @!p0 $0x0;
	s12 =	sor.u32 @!p0 $0x100, s2;
	s0 =	sadd.s32 @!p0 $0x1, s0;
	vm1 =	vmmov @!p0 $0xffff  }
0xea: {  	[tilespmem:s12], [sflag:s0] =	stream.indirect_vreg.gather @!p0 [hbm4b:s1+s4], $0x80, v2, vm1, $0xb8;
	[tilespmem:$0x1C100] =	vst v63  }
0xeb: {  	s12 =	sor.u32 @!p0 $0x900, s2  }
0xec: {  	[tilespmem:s12], [sflag:s0] =	stream.indirect_vreg.gather @!p0 [hbm4b:s5+s4], $0x80, v2, vm1, $0xb8;
	[tilespmem:$0x1C100] =	vst v63  }
0xed: {  	s12 =	sor.u32 @!p1 $0x1100, s2  }
0xee: {  	[tilespmem:s12], [sflag:s0] =	stream.indirect_vreg.gather @!p0 [hbm4b:s6+s4], $0x80, v2, vm1, $0xb8;
	[tilespmem:$0x1C100] =	vst v63  }
0xef: {  	s12 =	sor.u32 @!p0 $0x1900, s2  }
0xf0: {  	[tilespmem:s12], [sflag:s0] =	stream.indirect_vreg.gather @!p0 [hbm4b:s7+s4], $0x80, v2, vm1, $0xb8;
	[tilespmem:$0x1C100] =	vst v63  }
0xf1: {  	s12 =	sor.u32 @!p0 $0x2100, s2  }
0xf2: {  	[tilespmem:s12], [sflag:s0] =	stream.indirect_vreg.gather @!p0 [hbm4b:s8+s4], $0x80, v2, vm1, $0xb8;
	[tilespmem:$0x1C100] =	vst v63  }
0xf3: {  	s12 =	sor.u32 @!p0 $0x2900, s2  }
0xf4: {  	[tilespmem:s12], [sflag:s0] =	stream.indirect_vreg.gather @!p0 [hbm4b:s9+s4], $0x80, v2, vm1, $0xb8;
	[tilespmem:$0x1C100] =	vst v63  }
0xf5: {  	s15 =	sand.u32 $0xFC, s16;
	s12 =	sor.u32 @!p0 $0x3100, s2  }
0xf6: {  	[tilespmem:s12], [sflag:s0] =	stream.indirect_vreg.gather @!p0 [hbm4b:s10+s4], $0x80, v2, vm1, $0xb8;
	[tilespmem:$0x1C100] =	vst v63  }
0xf7: {  	s12 =	sshrl.u32 s15, $0x2  }
0xf8: {  	s2 =	sor.u32 @!p0 $0x3900, s2;
	s12 =	smul.u32 $0x7, s12  }
0xf9: {  	[tilespmem:s2], [sflag:s0] =	stream.indirect_vreg.gather @!p0 [hbm4b:s11+s4], $0x80, v2, vm1, $0xb8;
	[tilespmem:$0x1C100] =	vst v63  }
0xfa: {  	s16 =	ssub.s32 s22, s12  }
0xfb: {  	s0 =	sand.u32 $0xFF, s16  }
0xfc: {  	s17 =	sadd.s32 $0x1, s0  }
0xfd: {  	_ =	swait.ge [sflag:s17], $0x4000  }
0xfe: {  	s24 =	simm.s32 $0xC;
	s22 =	sshll.u32 s0, $0xE;
	[sflag:s17] =	ssyncset.done $0x0  }
0xff: {  	s0 =	sadd.s32 $0x8, s0;
	s23 =	sor.u32 $0x100, s22;
	[sflag:s17] =	ssyncadd.s32 $0xFFFFC000  }
0x100: {  	[hbm4b:s21+s3] =	stream.linear.scatter [tilespmem:s23], [sflag:s0], $0x4000, $0x38;
	[tilespmem:$0x1C100] =	vst v63  }
0x101: {  	_ =	swait.ge [sflag:s24], $0x4000  }
0x102: {  	[sflag:s24] =	ssyncset.done $0x0  }
0x103: {  	s25 =	simm.s32 $0xD;
	[sflag:s24] =	ssyncadd.s32 $0xFFFFC000  }
0x104: {  	_ =	swait.ge [sflag:s25], $0x4000  }
0x105: {  	[sflag:s25] =	ssyncset.done $0x0  }
0x106: {  	s26 =	simm.s32 $0xE;
	[sflag:s25] =	ssyncadd.s32 $0xFFFFC000  }
0x107: {  	_ =	swait.ge [sflag:s26], $0x4000  }
0x108: {  	[sflag:s26] =	ssyncset.done $0x0  }
0x109: {  	s28 =	simm.s32 $0x8;
	[sflag:s26] =	ssyncadd.s32 $0xFFFFC000  }
0x10a: {  	_ =	swait.ge [sflag:s28], $0x4000  }
0x10b: {  	[sflag:s28] =	ssyncset.done $0x0  }
0x10c: {  	s30 =	simm.s32 $0x9;
	[sflag:s28] =	ssyncadd.s32 $0xFFFFC000  }
0x10d: {  	_ =	swait.ge [sflag:s30], $0x4000  }
0x10e: {  	[sflag:s30] =	ssyncset.done $0x0  }
0x10f: {  	[sflag:s30] =	ssyncadd.s32 $0xFFFFC000  }
0x110: {  	_ =	swait.ge [sflag:s18], $0x4000  }
0x111: {  	[sflag:s18] =	ssyncset.done $0x0  }
0x112: {  	[sflag:s18] =	ssyncadd.s32 $0xFFFFC000  }
0x113: {  	_ =	swait.ge [sflag:s19], $0x4000  }
0x114: {  	s20 =	sadd.s32 $0x1, s20;
	s31 =	rddreg [dreg:$0x5]  }
0x115: {  	p0 =	sne.s32 s20, s31  }
.Ltmp1:
0x116: {  	_ = 	snop;
	(pc) =	sbr.rel @p0 .LBB2_1-.Ltmp1, $3  }
0x117: {  	_ =	sdelay $0x1  }
0x118: {  	[sflag:s19] =	ssyncset.done $0x0  }
0x119: {  	[sflag:s19] =	ssyncadd.s32 $0xFFFFC000  }
0x11a: {  	_ =	sfence.sel $0x180000  }
0x11b: {  	[bflag:$0x0] =	sbarrier.arrive $0xFFFF  }
0x11c: {  	_ =	strace $0x90000047  }
0x11d: {  	s0 =	stileid.u32;
	[bflag:$0x2] =	sbarrier.arrive $0xFFFF  }
0x11e: {  	p0 =	sne.s32 s0, $0x0;
	s0 =	rddreg [dreg:$0x3]  }
0x11f: {  	s0 =	sadd.s32 @!p0 $0x100000, s0  }
0x120: {  	[sflag:s0] =	ssyncadd.tile.s32 @!p0 $0x1;
	_ =	shalt  }
.Lfunc_end2:
_tile_overlayer_lowered:
.L_overlay_start_2:
0x121: {  	(tag) =	ssettag $0x2  }
0x122: {  	s0 =	rddreg [dreg:$0x0];
	s2 =	stileid.u32  }
0x123: {  	s1 =	rddreg [dreg:$0x1];
	p0 =	sne.s32 s2, $0x0  }
0x124: {  	s3 =	rddreg [dreg:$0x2];
	[bflag:$0x3] =	sbarrier.arrive $0xFFFF;
	s2 =	simm.s32 @!p0 $0x1C0F  }
0x125: {  	[timem:s3], [sflag:s2] =	dma.local @!p0 [hbm:s0], s1  }
0x126: {  	s0 =	simm.s32 @!p0 $0xF  }
0x127: {  	_ =	swait.ge @!p0 [sflag:s0], s1  }
0x128: {  	s1 =	ssub.s32 @!p0 $0x0, s1;
	[sflag:s0] =	ssyncset.done @!p0 $0x0  }
0x129: {  	[sflag:s0] =	ssyncadd.s32 @!p0 s1  }
0x12a: {  	[bflag:$0x3] =	sbarrier.arrive $0xFFFF  }
0x12b: {  	_ =	shalt  }

</sc_bundles>
